<compile_context>
chip_gen: v7x
topology: tpu7x:2x2x1
jax: 0.10.2.dev20260603
libtpu: 0.0.44.dev20260713+nightly
codegen_flags: <defaults>
</compile_context>

<pallas_src>
import numpy as np
import jax
import jax.numpy as jnp
from jax import lax
from jax.experimental import pallas as pl
from jax.experimental.pallas import tpu as pltpu

_NODE = 128
_K = 12
_P = 192
_INF = float(np.inf)


def _f32dot(a, b):
    return jnp.dot(a, b, preferred_element_type=jnp.float32)


def _silu(x):
    return x * jax.nn.sigmoid(x)


def _make_body(P, NB, GPAD, K, DOUT):
    coeff = -0.5 / (8.0 / (_NODE - 1)) ** 2

    def body(frow_ref, fcol_ref, latc_ref, sp_ref, bi_ref, gidr_ref,
             gidc_ref, trow_ref, emb_ref, mw1_ref, mb1_ref, mw2_ref,
             mb2_ref, uw1_ref, ub1_ref, uw2_ref, ub2_ref, gam_ref, bet_ref,
             offs_ref, lat9_ref, fw1a_ref, fw1b_ref, fb1_ref, fw2_ref,
             fb2_ref, out_ref, pooled_ref, cnt_ref):
        g = pl.program_id(0)

        @pl.when(g == 0)
        def _init():
            pooled_ref[...] = jnp.zeros((GPAD, _NODE), jnp.float32)
            cnt_ref[...] = jnp.zeros((GPAD, _NODE), jnp.float32)

        fr = frow_ref[0]
        fc = fcol_ref[0]
        lc = latc_ref[0]
        gidr = gidr_ref[0]
        gidc = gidc_ref[0]
        trow = trow_ref[0]

        iota_r = lax.broadcasted_iota(jnp.int32, (1, P), 1).astype(jnp.float32)
        iota_c = lax.broadcasted_iota(jnp.int32, (P, 1), 0).astype(jnp.float32)
        iota2 = lax.broadcasted_iota(jnp.int32, (P, P), 1).astype(jnp.float32)

        d0 = fc[:, 0:1] - fr[0:1, :]
        d1 = fc[:, 1:2] - fr[1:2, :]
        d2 = fc[:, 2:3] - fr[2:3, :]
        d0 = d0 - jnp.round(d0)
        d1 = d1 - jnp.round(d1)
        d2 = d2 - jnp.round(d2)
        sq = jnp.zeros((P, P), jnp.float32)
        for dd in range(3):
            cart = (d0 * lc[:, dd:dd + 1] + d1 * lc[:, 3 + dd:4 + dd]
                    + d2 * lc[:, 6 + dd:7 + dd])
            sq = sq + cart * cart
        eye = iota_c == iota_r
        pairok = (gidc == gidr) & (gidc >= 0) & jnp.logical_not(eye)
        dist = jnp.sqrt(sq + eye.astype(jnp.float32))
        dist = jnp.where(pairok, dist, _INF)

        svals, sidx = [], []
        for _ in range(K):
            m = jnp.min(dist, axis=1, keepdims=True)
            ismin = dist == m
            idx = jnp.min(jnp.where(ismin, iota2, jnp.float32(P)), axis=1,
                          keepdims=True)
            svals.append(m)
            sidx.append(idx)
            dist = jnp.where(iota2 == idx, _INF, dist)

        sp = sp_ref[0]
        iota_e = lax.broadcasted_iota(jnp.int32, (1, _NODE), 1)
        node = _f32dot((sp == iota_e).astype(jnp.float32), emb_ref[...])

        offs = offs_ref[...]
        efs, ohs, vals = [], [], []
        for t in range(K):
            diff = svals[t] - offs
            efs.append(jnp.exp(coeff * diff * diff))
            ohs.append((sidx[t] == iota_r).astype(jnp.float32))
            vals.append(trow[:, t:t + 1])
        ohcat = jnp.concatenate(ohs, axis=0)
        efcat = jnp.concatenate(efs, axis=0)
        valcat = jnp.concatenate(vals, axis=0)

        for li in range(3):
            wa = mw1_ref[li, 0:_NODE, :]
            wb = mw1_ref[li, _NODE:2 * _NODE, :]
            wc = mw1_ref[li, 2 * _NODE:3 * _NODE, :]
            mb1 = mb1_ref[li]
            mw2 = mw2_ref[li]
            mb2 = mb2_ref[li]
            nwb = _f32dot(node, wb) + mb1
            nwbcat = jnp.concatenate([nwb] * K, axis=0)
            srccat = _f32dot(ohcat, node)
            pre = _f32dot(srccat, wa) + nwbcat + _f32dot(efcat, wc)
            msg = (_f32dot(_silu(pre), mw2) + mb2) * valcat
            agg = jnp.zeros((P, _NODE), jnp.float32)
            for t in range(K):
                agg = agg + msg[t * P:(t + 1) * P, :]
            u = _silu(_f32dot(agg, uw1_ref[li]) + ub1_ref[li])
            upd = _f32dot(u, uw2_ref[li]) + ub2_ref[li]
            x = node + upd
            mu = jnp.mean(x, axis=1, keepdims=True)
            xc = x - mu
            var = jnp.mean(xc * xc, axis=1, keepdims=True)
            node = xc / jnp.sqrt(var + 1e-5) * gam_ref[li] + bet_ref[li]

        bi = bi_ref[0]
        iota_g = lax.broadcasted_iota(jnp.int32, (GPAD, 1), 0)
        ohg = jnp.where((iota_g == bi) & (gidr >= 0), 1.0, 0.0)
        pooled_ref[...] += _f32dot(ohg, node)
        cnt_ref[...] += jnp.sum(ohg, axis=1, keepdims=True)

        @pl.when(g == NB - 1)
        def _final():
            pooled = pooled_ref[...] / cnt_ref[...]
            pre2 = (_f32dot(pooled, fw1a_ref[...])
                    + _f32dot(lat9_ref[...], fw1b_ref[...]) + fb1_ref[...])
            out_ref[...] = _f32dot(_silu(pre2), fw2_ref[...]) + fb2_ref[...]

    return body


def kernel(lattice, fracs, species, batch_indices, num_atoms_list, emb,
           conv_params, fw1, fb1, fw2, fb2, offset):
    NG = int(num_atoms_list.shape[0])
    counts = np.arange(NG, dtype=np.int64)
    N = int(fracs.shape[0])
    starts = np.cumsum(counts) - counts
    GPAD = int(np.ceil(NG / 8.0)) * 8
    DOUT = int(fb2.shape[0])
    P = max(_P, int(np.ceil(max(int(counts.max()), 1) / 64.0)) * 64)

    order = sorted((g for g in range(NG) if counts[g] > 0),
                   key=lambda g: -counts[g])
    bins, fill = [], []
    for g in order:
        n = int(counts[g])
        for bidx in range(len(bins)):
            if fill[bidx] + n <= P:
                bins[bidx].append(g)
                fill[bidx] += n
                break
        else:
            bins.append([g])
            fill.append(n)
    NB = len(bins)

    pad_idx = np.zeros((NB, P), np.int32)
    gid = np.full((NB, P), -1, np.int32)
    lat_sel = np.zeros((NB, P), np.int32)
    trow = np.zeros((NB, P, _K), np.float32)
    for b, gs in enumerate(bins):
        pos = 0
        for g in gs:
            n = int(counts[g])
            sl = slice(pos, pos + n)
            pad_idx[b, sl] = starts[g] + np.arange(n)
            gid[b, sl] = g
            lat_sel[b, sl] = g
            trow[b, sl, :] = (np.arange(_K)[None, :] < (n - 1))
            pos += n
    pad_idx = np.clip(pad_idx, 0, N - 1)

    pij = jnp.asarray(pad_idx).reshape(-1)
    fp = jnp.take(fracs, pij, axis=0).reshape(NB, P, 3)
    frow = jnp.transpose(fp, (0, 2, 1))
    sp = jnp.take(species.astype(jnp.int32), pij).reshape(NB, P, 1)
    bi = jnp.take(batch_indices.astype(jnp.int32), pij).reshape(NB, 1, P)
    latc = jnp.take(lattice.reshape(NG, 9), jnp.asarray(lat_sel).reshape(-1),
                    axis=0).reshape(NB, P, 9)
    gidr = jnp.asarray(gid).reshape(NB, 1, P)
    gidc = jnp.asarray(gid).reshape(NB, P, 1)
    trj = jnp.asarray(trow)

    emb_p = jnp.zeros((_NODE, _NODE), jnp.float32).at[:emb.shape[0]].set(emb)
    mw1s = jnp.stack([p['mw1'] for p in conv_params])
    mb1s = jnp.stack([p['mb1'] for p in conv_params]).reshape(3, 1, _NODE)
    mw2s = jnp.stack([p['mw2'] for p in conv_params])
    mb2s = jnp.stack([p['mb2'] for p in conv_params]).reshape(3, 1, _NODE)
    uw1s = jnp.stack([p['uw1'] for p in conv_params])
    ub1s = jnp.stack([p['ub1'] for p in conv_params]).reshape(3, 1, _NODE)
    uw2s = jnp.stack([p['uw2'] for p in conv_params])
    ub2s = jnp.stack([p['ub2'] for p in conv_params]).reshape(3, 1, _NODE)
    gams = jnp.stack([p['g'] for p in conv_params]).reshape(3, 1, _NODE)
    bets = jnp.stack([p['b'] for p in conv_params]).reshape(3, 1, _NODE)
    offs = offset.reshape(1, _NODE)
    lat9p = jnp.zeros((GPAD, 16), jnp.float32).at[:NG, :9].set(
        lattice.reshape(NG, 9))
    fw1a = fw1[:_NODE]
    fw1b = jnp.zeros((16, _NODE), jnp.float32).at[:9].set(fw1[_NODE:])
    fb1r = fb1.reshape(1, _NODE)
    fb2r = fb2.reshape(1, DOUT)

    def pg(shape):
        return pl.BlockSpec((1,) + shape, lambda g: (g, 0, 0))

    def cst(shape):
        nd = len(shape)
        return pl.BlockSpec(shape, lambda g, _n=nd: (0,) * _n)

    out = pl.pallas_call(
        _make_body(P, NB, GPAD, _K, DOUT),
        grid=(NB,),
        in_specs=[
            pg((3, P)), pg((P, 3)), pg((P, 9)), pg((P, 1)), pg((1, P)),
            pg((1, P)), pg((P, 1)), pg((P, _K)),
            cst((_NODE, _NODE)),
            cst((3, 3 * _NODE, _NODE)), cst((3, 1, _NODE)),
            cst((3, _NODE, _NODE)), cst((3, 1, _NODE)),
            cst((3, _NODE, _NODE)), cst((3, 1, _NODE)),
            cst((3, _NODE, _NODE)), cst((3, 1, _NODE)),
            cst((3, 1, _NODE)), cst((3, 1, _NODE)),
            cst((1, _NODE)), cst((GPAD, 16)),
            cst((_NODE, _NODE)), cst((16, _NODE)), cst((1, _NODE)),
            cst((_NODE, DOUT)), cst((1, DOUT)),
        ],
        out_specs=pl.BlockSpec((GPAD, DOUT), lambda g: (0, 0)),
        out_shape=jax.ShapeDtypeStruct((GPAD, DOUT), jnp.float32),
        scratch_shapes=[pltpu.VMEM((GPAD, _NODE), jnp.float32),
                        pltpu.VMEM((GPAD, _NODE), jnp.float32)],
        compiler_params=pltpu.CompilerParams(
            dimension_semantics=("arbitrary",)),
    )(frow, fp, latc, sp, bi, gidr, gidc, trj, emb_p,
      mw1s, mb1s, mw2s, mb2s, uw1s, ub1s, uw2s, ub2s, gams, bets,
      offs, lat9p, fw1a, fw1b, fb1r, fw2, fb2r)

    half = DOUT // 2
    return out[:NG, :half], out[:NG, half:]

# --- scband reference (transcript-rebuilt; emitter-appended) ---
"""Pipeline reference for scband-gnnencoder-31559419691866 (READ-ONLY COPY).

The authoritative reference and input builder live on the scoring server;
editing this copy changes nothing except your own understanding.
"""

import jax, jax.numpy as jnp
import numpy as np

NODE_DIM = 128
EDGE_DIM = 128
LATENT_DIM = 256
K_NEIGHBORS = 12
NUM_GRAPHS = 182
N_ATOMS = 16471  # sum of 0..181


def _linear_params(key, din, dout):
    k1, k2 = jax.random.split(key)
    w = jax.random.normal(k1, (din, dout), jnp.float32) * (1.0 / np.sqrt(din))
    b = jax.random.normal(k2, (dout,), jnp.float32) * 0.01
    return w, b


def setup_inputs(seed: int = 0) -> dict:
    key = jax.random.key(seed)
    ks = jax.random.split(key, 16)
    lattice = jax.random.normal(ks[0], (NUM_GRAPHS, 3, 3), jnp.float32)
    fracs = jax.random.uniform(ks[1], (N_ATOMS, 3), jnp.float32)
    species = jax.random.randint(ks[2], (N_ATOMS,), 0, 100)
    batch_indices = jnp.sort(jax.random.randint(ks[3], (N_ATOMS,), 0, NUM_GRAPHS))
    num_atoms_list = np.arange(NUM_GRAPHS)  # static python-side atom counts, sums to N_ATOMS
    emb = jax.random.normal(ks[4], (100, NODE_DIM), jnp.float32) * 0.05
    emb = emb.at[0].set(0.0)  # padding_idx=0
    conv_params = []
    for li in range(3):
        kk = jax.random.split(ks[5 + li], 4)
        mw1, mb1 = _linear_params(kk[0], 2 * NODE_DIM + EDGE_DIM, NODE_DIM)
        mw2, mb2 = _linear_params(kk[1], NODE_DIM, NODE_DIM)
        uw1, ub1 = _linear_params(kk[2], NODE_DIM, NODE_DIM)
        uw2, ub2 = _linear_params(kk[3], NODE_DIM, NODE_DIM)
        conv_params.append({'mw1': mw1, 'mb1': mb1, 'mw2': mw2, 'mb2': mb2,
                            'uw1': uw1, 'ub1': ub1, 'uw2': uw2, 'ub2': ub2,
                            'g': jnp.ones((NODE_DIM,), jnp.float32), 'b': jnp.zeros((NODE_DIM,), jnp.float32)})
    fw1, fb1 = _linear_params(ks[8], NODE_DIM + 9, 128)
    fw2, fb2 = _linear_params(ks[9], 128, LATENT_DIM * 2)
    offset = jnp.linspace(0.0, 8.0, EDGE_DIM)
    return {'lattice': lattice, 'fracs': fracs, 'species': species, 'batch_indices': batch_indices,
            'num_atoms_list': num_atoms_list, 'emb': emb, 'conv_params': conv_params,
            'fw1': fw1, 'fb1': fb1, 'fw2': fw2, 'fb2': fb2, 'offset': offset}


def _build_graph(fracs, lattice, num_atoms_list, k_neighbors):
    srcs, dsts, dists = [], [], []
    num_atoms_list = jnp.asarray(num_atoms_list)
    starts = jnp.cumsum(num_atoms_list) - num_atoms_list
    for i in range(num_atoms_list.shape[0]):
        n = i
        k = min(k_neighbors, n - 1)
        if k > 0:
            start = starts[i]
            f = jax.lax.dynamic_slice_in_dim(fracs, start, n, axis=0)
            lat = lattice[i]
            diff = f[:, None, :] - f[None, :, :]
            diff = diff - jnp.round(diff)
            cart = jnp.matmul(diff, lat)
            sq = jnp.sum(cart * cart, axis=-1)
            eye = jnp.eye(n, dtype=bool)
            dist = jnp.sqrt(sq + jnp.eye(n))  # keep diag away from 0 (masked to inf next)
            dist = jnp.where(eye, jnp.inf, dist)
            neg_vals, idx = jax.lax.top_k(-dist, k)  # smallest-k distances
            srcs.append(idx.reshape(-1) + start)
            dsts.append(jnp.repeat(jnp.arange(n), k) + start)
            dists.append(-neg_vals.reshape(-1))
    return jnp.concatenate(srcs), jnp.concatenate(dsts), jnp.concatenate(dists)[:, None]


def _layer_norm(x, g, b, eps=1e-5):
    m = jnp.mean(x, axis=-1, keepdims=True)
    v = jnp.mean((x - m) ** 2, axis=-1, keepdims=True)
    return (x - m) / jnp.sqrt(v + eps) * g + b


def _mp_layer(node_feat, es, ed, ef, p):
    mi = jnp.concatenate([node_feat[es], node_feat[ed], ef], axis=-1)
    msg = jax.nn.silu(mi @ p['mw1'] + p['mb1']) @ p['mw2'] + p['mb2']
    agg = jnp.zeros_like(node_feat).at[ed].add(msg)
    upd = jax.nn.silu(agg @ p['uw1'] + p['ub1']) @ p['uw2'] + p['ub2']
    return _layer_norm(node_feat + upd, p['g'], p['b'])


def reference(lattice, fracs, species, batch_indices, num_atoms_list, emb, conv_params, fw1, fb1, fw2, fb2, offset):
    node_feat = emb[species]
    es, ed, edist = _build_graph(fracs, lattice, num_atoms_list, K_NEIGHBORS)
    step = 8.0 / (EDGE_DIM - 1)
    coeff = -0.5 / step ** 2
    ef = jnp.exp(coeff * (edist - offset[None, :]) ** 2)
    for p in conv_params:
        node_feat = _mp_layer(node_feat, es, ed, ef, p)
    num_graphs = lattice.shape[0]
    pooled = jnp.zeros((num_graphs, node_feat.shape[-1]), node_feat.dtype).at[batch_indices].add(node_feat)
    counts = jnp.bincount(batch_indices, length=num_graphs).astype(jnp.float32)[:, None]
    pooled = pooled / counts
    combined = jnp.concatenate([pooled, lattice.reshape(num_graphs, 9)], axis=1)
    params = jax.nn.silu(combined @ fw1 + fb1) @ fw2 + fb2
    return params[:, :LATENT_DIM], params[:, LATENT_DIM:]

if __name__ == "__main__":
    import jax
    _d = setup_inputs()
    print(jax.jit(kernel)(*tuple(_d.values())))

</pallas_src>

<mosaic_0001>
module attributes {stable_mosaic.version = 14 : i64} {
  func.func @body(%arg0: i32, %arg1: memref<1x3x192xf32, #tpu.memory_space<vmem>>, %arg2: memref<1x192x3xf32, #tpu.memory_space<vmem>>, %arg3: memref<1x192x9xf32, #tpu.memory_space<vmem>>, %arg4: memref<1x192x1xi32, #tpu.memory_space<vmem>>, %arg5: memref<1x1x192xi32, #tpu.memory_space<vmem>>, %arg6: memref<1x1x192xi32, #tpu.memory_space<vmem>>, %arg7: memref<1x192x1xi32, #tpu.memory_space<vmem>>, %arg8: memref<1x192x12xf32, #tpu.memory_space<vmem>>, %arg9: memref<128x128xf32, #tpu.memory_space<vmem>>, %arg10: memref<3x384x128xf32, #tpu.memory_space<vmem>>, %arg11: memref<3x1x128xf32, #tpu.memory_space<vmem>>, %arg12: memref<3x128x128xf32, #tpu.memory_space<vmem>>, %arg13: memref<3x1x128xf32, #tpu.memory_space<vmem>>, %arg14: memref<3x128x128xf32, #tpu.memory_space<vmem>>, %arg15: memref<3x1x128xf32, #tpu.memory_space<vmem>>, %arg16: memref<3x128x128xf32, #tpu.memory_space<vmem>>, %arg17: memref<3x1x128xf32, #tpu.memory_space<vmem>>, %arg18: memref<3x1x128xf32, #tpu.memory_space<vmem>>, %arg19: memref<3x1x128xf32, #tpu.memory_space<vmem>>, %arg20: memref<1x128xf32, #tpu.memory_space<vmem>>, %arg21: memref<184x16xf32, #tpu.memory_space<vmem>>, %arg22: memref<128x128xf32, #tpu.memory_space<vmem>>, %arg23: memref<16x128xf32, #tpu.memory_space<vmem>>, %arg24: memref<1x128xf32, #tpu.memory_space<vmem>>, %arg25: memref<128x512xf32, #tpu.memory_space<vmem>>, %arg26: memref<1x512xf32, #tpu.memory_space<vmem>>, %arg27: memref<184x512xf32, #tpu.memory_space<vmem>>, %arg28: memref<184x128xf32, #tpu.memory_space<vmem>>, %arg29: memref<184x128xf32, #tpu.memory_space<vmem>>) attributes {dimension_semantics = [#tpu.dimension_semantics<arbitrary>], iteration_bounds = array<i64: 86>, scalar_prefetch = 0 : i64, scratch_operands = 2 : i64, tpu.core_type = #tpu.core_type<tc>, window_params = [{transform_indices = @transform_0, window_bounds = array<i64: 1, 3, 192>}, {transform_indices = @transform_1, window_bounds = array<i64: 1, 192, 3>}, {transform_indices = @transform_2, window_bounds = array<i64: 1, 192, 9>}, {transform_indices = @transform_3, window_bounds = array<i64: 1, 192, 1>}, {transform_indices = @transform_4, window_bounds = array<i64: 1, 1, 192>}, {transform_indices = @transform_5, window_bounds = array<i64: 1, 1, 192>}, {transform_indices = @transform_6, window_bounds = array<i64: 1, 192, 1>}, {transform_indices = @transform_7, window_bounds = array<i64: 1, 192, 12>}, {pipeline_mode = #tpu.pipeline_mode<synchronous>, transform_indices = @transform_8, window_bounds = array<i64: 128, 128>}, {pipeline_mode = #tpu.pipeline_mode<synchronous>, transform_indices = @transform_9, window_bounds = array<i64: 3, 384, 128>}, {pipeline_mode = #tpu.pipeline_mode<synchronous>, transform_indices = @transform_10, window_bounds = array<i64: 3, 1, 128>}, {pipeline_mode = #tpu.pipeline_mode<synchronous>, transform_indices = @transform_11, window_bounds = array<i64: 3, 128, 128>}, {pipeline_mode = #tpu.pipeline_mode<synchronous>, transform_indices = @transform_12, window_bounds = array<i64: 3, 1, 128>}, {pipeline_mode = #tpu.pipeline_mode<synchronous>, transform_indices = @transform_13, window_bounds = array<i64: 3, 128, 128>}, {pipeline_mode = #tpu.pipeline_mode<synchronous>, transform_indices = @transform_14, window_bounds = array<i64: 3, 1, 128>}, {pipeline_mode = #tpu.pipeline_mode<synchronous>, transform_indices = @transform_15, window_bounds = array<i64: 3, 128, 128>}, {pipeline_mode = #tpu.pipeline_mode<synchronous>, transform_indices = @transform_16, window_bounds = array<i64: 3, 1, 128>}, {pipeline_mode = #tpu.pipeline_mode<synchronous>, transform_indices = @transform_17, window_bounds = array<i64: 3, 1, 128>}, {pipeline_mode = #tpu.pipeline_mode<synchronous>, transform_indices = @transform_18, window_bounds = array<i64: 3, 1, 128>}, {pipeline_mode = #tpu.pipeline_mode<synchronous>, transform_indices = @transform_19, window_bounds = array<i64: 1, 128>}, {pipeline_mode = #tpu.pipeline_mode<synchronous>, transform_indices = @transform_20, window_bounds = array<i64: 184, 16>}, {pipeline_mode = #tpu.pipeline_mode<synchronous>, transform_indices = @transform_21, window_bounds = array<i64: 128, 128>}, {pipeline_mode = #tpu.pipeline_mode<synchronous>, transform_indices = @transform_22, window_bounds = array<i64: 16, 128>}, {pipeline_mode = #tpu.pipeline_mode<synchronous>, transform_indices = @transform_23, window_bounds = array<i64: 1, 128>}, {pipeline_mode = #tpu.pipeline_mode<synchronous>, transform_indices = @transform_24, window_bounds = array<i64: 128, 512>}, {pipeline_mode = #tpu.pipeline_mode<synchronous>, transform_indices = @transform_25, window_bounds = array<i64: 1, 512>}, {pipeline_mode = #tpu.pipeline_mode<synchronous>, transform_indices = @transform_26, window_bounds = array<i64: 184, 512>}]} {
    %eq3A = arith.constant 0 : i32
    %eq3A_0 = arith.cmpi eq, %arg0, %eq3A : i32
    %convert_element_type3A = arith.extui %eq3A_0 : i1 to i32
    %cond3A = arith.constant 0 : i32
    %cond3A_1 = arith.cmpi ne, %convert_element_type3A, %cond3A : i32
    scf.if %cond3A_1 {
      %broadcast_in_dim3A_979 = arith.constant 0.000000e+00 : f32
      %broadcast_in_dim3A_980 = vector.broadcast %broadcast_in_dim3A_979 : f32 to vector<184x128xf32>
      %swap3A_981 = arith.constant 0 : index
      %swap3A_982 = arith.constant 0 : index
      %swap3A_983 = vector.load %arg28[%swap3A_981, %swap3A_982] : memref<184x128xf32, #tpu.memory_space<vmem>>, vector<184x128xf32>
      tpu.vector_store %arg28[%swap3A_981, %swap3A_982], %broadcast_in_dim3A_980 {strides = array<i32>} : memref<184x128xf32, #tpu.memory_space<vmem>>, vector<184x128xf32>,
      %broadcast_in_dim3A_984 = arith.constant 0.000000e+00 : f32
      %broadcast_in_dim3A_985 = vector.broadcast %broadcast_in_dim3A_984 : f32 to vector<184x128xf32>
      %swap3A_986 = arith.constant 0 : index
      %swap3A_987 = arith.constant 0 : index
      %swap3A_988 = vector.load %arg29[%swap3A_986, %swap3A_987] : memref<184x128xf32, #tpu.memory_space<vmem>>, vector<184x128xf32>
      tpu.vector_store %arg29[%swap3A_986, %swap3A_987], %broadcast_in_dim3A_985 {strides = array<i32>} : memref<184x128xf32, #tpu.memory_space<vmem>>, vector<184x128xf32>,
    } else {
    }
    %get3A = arith.constant 0 : index
    %get3A_2 = arith.constant 0 : index
    %get3A_3 = arith.constant 0 : index
    %get3A_4 = vector.load %arg1[%get3A, %get3A_2, %get3A_3] : memref<1x3x192xf32, #tpu.memory_space<vmem>>, vector<1x3x192xf32>
    %get3A_5 = vector.shape_cast %get3A_4 : vector<1x3x192xf32> to vector<3x192xf32>
    %get3A_6 = arith.constant 0 : index
    %get3A_7 = arith.constant 0 : index
    %get3A_8 = arith.constant 0 : index
    %get3A_9 = vector.load %arg2[%get3A_6, %get3A_7, %get3A_8] : memref<1x192x3xf32, #tpu.memory_space<vmem>>, vector<1x192x3xf32>
    %get3A_10 = vector.shape_cast %get3A_9 : vector<1x192x3xf32> to vector<192x3xf32>
    %get3A_11 = arith.constant 0 : index
    %get3A_12 = arith.constant 0 : index
    %get3A_13 = arith.constant 0 : index
    %get3A_14 = vector.load %arg3[%get3A_11, %get3A_12, %get3A_13] : memref<1x192x9xf32, #tpu.memory_space<vmem>>, vector<1x192x9xf32>
    %get3A_15 = vector.shape_cast %get3A_14 : vector<1x192x9xf32> to vector<192x9xf32>
    %get3A_16 = arith.constant 0 : index
    %get3A_17 = arith.constant 0 : index
    %get3A_18 = arith.constant 0 : index
    %get3A_19 = vector.load %arg6[%get3A_16, %get3A_17, %get3A_18] : memref<1x1x192xi32, #tpu.memory_space<vmem>>, vector<1x1x192xi32>
    %get3A_20 = vector.shape_cast %get3A_19 : vector<1x1x192xi32> to vector<1x192xi32>
    %get3A_21 = arith.constant 0 : index
    %get3A_22 = arith.constant 0 : index
    %get3A_23 = arith.constant 0 : index
    %get3A_24 = vector.load %arg7[%get3A_21, %get3A_22, %get3A_23] : memref<1x192x1xi32, #tpu.memory_space<vmem>>, vector<1x192x1xi32>
    %get3A_25 = vector.shape_cast %get3A_24 : vector<1x192x1xi32> to vector<192x1xi32>
    %get3A_26 = arith.constant 0 : index
    %get3A_27 = arith.constant 0 : index
    %get3A_28 = arith.constant 0 : index
    %get3A_29 = vector.load %arg8[%get3A_26, %get3A_27, %get3A_28] : memref<1x192x12xf32, #tpu.memory_space<vmem>>, vector<1x192x12xf32>
    %get3A_30 = vector.shape_cast %get3A_29 : vector<1x192x12xf32> to vector<192x12xf32>
    %iota3A = tpu.iota {dimensions = array<i32: 1>} : vector<1x192xi32>
    %convert_element_type3A_31 = arith.sitofp %iota3A : vector<1x192xi32> to vector<1x192xf32>
    %iota3A_32 = tpu.iota {dimensions = array<i32: 0>} : vector<192x1xi32>
    %convert_element_type3A_33 = arith.sitofp %iota3A_32 : vector<192x1xi32> to vector<192x1xf32>
    %iota3A_34 = tpu.iota {dimensions = array<i32: 1>} : vector<192x192xi32>
    %convert_element_type3A_35 = arith.sitofp %iota3A_34 : vector<192x192xi32> to vector<192x192xf32>
    %slice3A = vector.extract_strided_slice %get3A_10 {offsets = [0, 0], sizes = [192, 1], strides = [1, 1]} : vector<192x3xf32> to vector<192x1xf32>
    %slice3A_36 = vector.extract_strided_slice %get3A_5 {offsets = [0, 0], sizes = [1, 192], strides = [1, 1]} : vector<3x192xf32> to vector<1x192xf32>
    %sub3A = vector.broadcast %slice3A : vector<192x1xf32> to vector<192x192xf32>
    %sub3A_37 = vector.broadcast %slice3A_36 : vector<1x192xf32> to vector<192x192xf32>
    %sub3A_38 = arith.subf %sub3A, %sub3A_37 : vector<192x192xf32>
    %slice3A_39 = vector.extract_strided_slice %get3A_10 {offsets = [0, 1], sizes = [192, 1], strides = [1, 1]} : vector<192x3xf32> to vector<192x1xf32>
    %slice3A_40 = vector.extract_strided_slice %get3A_5 {offsets = [1, 0], sizes = [1, 192], strides = [1, 1]} : vector<3x192xf32> to vector<1x192xf32>
    %sub3A_41 = vector.broadcast %slice3A_39 : vector<192x1xf32> to vector<192x192xf32>
    %sub3A_42 = vector.broadcast %slice3A_40 : vector<1x192xf32> to vector<192x192xf32>
    %sub3A_43 = arith.subf %sub3A_41, %sub3A_42 : vector<192x192xf32>
    %slice3A_44 = vector.extract_strided_slice %get3A_10 {offsets = [0, 2], sizes = [192, 1], strides = [1, 1]} : vector<192x3xf32> to vector<192x1xf32>
    %slice3A_45 = vector.extract_strided_slice %get3A_5 {offsets = [2, 0], sizes = [1, 192], strides = [1, 1]} : vector<3x192xf32> to vector<1x192xf32>
    %sub3A_46 = vector.broadcast %slice3A_44 : vector<192x1xf32> to vector<192x192xf32>
    %sub3A_47 = vector.broadcast %slice3A_45 : vector<1x192xf32> to vector<192x192xf32>
    %sub3A_48 = arith.subf %sub3A_46, %sub3A_47 : vector<192x192xf32>
    %round3A = math.roundeven %sub3A_38 : vector<192x192xf32>
    %sub3A_49 = arith.subf %sub3A_38, %round3A : vector<192x192xf32>
    %round3A_50 = math.roundeven %sub3A_43 : vector<192x192xf32>
    %sub3A_51 = arith.subf %sub3A_43, %round3A_50 : vector<192x192xf32>
    %round3A_52 = math.roundeven %sub3A_48 : vector<192x192xf32>
    %sub3A_53 = arith.subf %sub3A_48, %round3A_52 : vector<192x192xf32>
    %broadcast_in_dim3A = arith.constant 0.000000e+00 : f32
    %broadcast_in_dim3A_54 = vector.broadcast %broadcast_in_dim3A : f32 to vector<192x192xf32>
    %slice3A_55 = vector.extract_strided_slice %get3A_15 {offsets = [0, 0], sizes = [192, 1], strides = [1, 1]} : vector<192x9xf32> to vector<192x1xf32>
    %mul3A = vector.broadcast %slice3A_55 : vector<192x1xf32> to vector<192x192xf32>
    %mul3A_56 = arith.mulf %sub3A_49, %mul3A : vector<192x192xf32>
    %slice3A_57 = vector.extract_strided_slice %get3A_15 {offsets = [0, 3], sizes = [192, 1], strides = [1, 1]} : vector<192x9xf32> to vector<192x1xf32>
    %mul3A_58 = vector.broadcast %slice3A_57 : vector<192x1xf32> to vector<192x192xf32>
    %mul3A_59 = arith.mulf %sub3A_51, %mul3A_58 : vector<192x192xf32>
    %add3A = arith.addf %mul3A_56, %mul3A_59 : vector<192x192xf32>
    %slice3A_60 = vector.extract_strided_slice %get3A_15 {offsets = [0, 6], sizes = [192, 1], strides = [1, 1]} : vector<192x9xf32> to vector<192x1xf32>
    %mul3A_61 = vector.broadcast %slice3A_60 : vector<192x1xf32> to vector<192x192xf32>
    %mul3A_62 = arith.mulf %sub3A_53, %mul3A_61 : vector<192x192xf32>
    %add3A_63 = arith.addf %add3A, %mul3A_62 : vector<192x192xf32>
    %mul3A_64 = arith.mulf %add3A_63, %add3A_63 : vector<192x192xf32>
    %add3A_65 = arith.addf %broadcast_in_dim3A_54, %mul3A_64 : vector<192x192xf32>
    %slice3A_66 = vector.extract_strided_slice %get3A_15 {offsets = [0, 1], sizes = [192, 1], strides = [1, 1]} : vector<192x9xf32> to vector<192x1xf32>
    %mul3A_67 = vector.broadcast %slice3A_66 : vector<192x1xf32> to vector<192x192xf32>
    %mul3A_68 = arith.mulf %sub3A_49, %mul3A_67 : vector<192x192xf32>
    %slice3A_69 = vector.extract_strided_slice %get3A_15 {offsets = [0, 4], sizes = [192, 1], strides = [1, 1]} : vector<192x9xf32> to vector<192x1xf32>
    %mul3A_70 = vector.broadcast %slice3A_69 : vector<192x1xf32> to vector<192x192xf32>
    %mul3A_71 = arith.mulf %sub3A_51, %mul3A_70 : vector<192x192xf32>
    %add3A_72 = arith.addf %mul3A_68, %mul3A_71 : vector<192x192xf32>
    %slice3A_73 = vector.extract_strided_slice %get3A_15 {offsets = [0, 7], sizes = [192, 1], strides = [1, 1]} : vector<192x9xf32> to vector<192x1xf32>
    %mul3A_74 = vector.broadcast %slice3A_73 : vector<192x1xf32> to vector<192x192xf32>
    %mul3A_75 = arith.mulf %sub3A_53, %mul3A_74 : vector<192x192xf32>
    %add3A_76 = arith.addf %add3A_72, %mul3A_75 : vector<192x192xf32>
    %mul3A_77 = arith.mulf %add3A_76, %add3A_76 : vector<192x192xf32>
    %add3A_78 = arith.addf %add3A_65, %mul3A_77 : vector<192x192xf32>
    %slice3A_79 = vector.extract_strided_slice %get3A_15 {offsets = [0, 2], sizes = [192, 1], strides = [1, 1]} : vector<192x9xf32> to vector<192x1xf32>
    %mul3A_80 = vector.broadcast %slice3A_79 : vector<192x1xf32> to vector<192x192xf32>
    %mul3A_81 = arith.mulf %sub3A_49, %mul3A_80 : vector<192x192xf32>
    %slice3A_82 = vector.extract_strided_slice %get3A_15 {offsets = [0, 5], sizes = [192, 1], strides = [1, 1]} : vector<192x9xf32> to vector<192x1xf32>
    %mul3A_83 = vector.broadcast %slice3A_82 : vector<192x1xf32> to vector<192x192xf32>
    %mul3A_84 = arith.mulf %sub3A_51, %mul3A_83 : vector<192x192xf32>
    %add3A_85 = arith.addf %mul3A_81, %mul3A_84 : vector<192x192xf32>
    %slice3A_86 = vector.extract_strided_slice %get3A_15 {offsets = [0, 8], sizes = [192, 1], strides = [1, 1]} : vector<192x9xf32> to vector<192x1xf32>
    %mul3A_87 = vector.broadcast %slice3A_86 : vector<192x1xf32> to vector<192x192xf32>
    %mul3A_88 = arith.mulf %sub3A_53, %mul3A_87 : vector<192x192xf32>
    %add3A_89 = arith.addf %add3A_85, %mul3A_88 : vector<192x192xf32>
    %mul3A_90 = arith.mulf %add3A_89, %add3A_89 : vector<192x192xf32>
    %add3A_91 = arith.addf %add3A_78, %mul3A_90 : vector<192x192xf32>
    %eq3A_92 = vector.broadcast %convert_element_type3A_33 : vector<192x1xf32> to vector<192x192xf32>
    %eq3A_93 = vector.broadcast %convert_element_type3A_31 : vector<1x192xf32> to vector<192x192xf32>
    %eq3A_94 = arith.cmpf oeq, %eq3A_92, %eq3A_93 : vector<192x192xf32>
    %eq3A_95 = vector.broadcast %get3A_25 : vector<192x1xi32> to vector<192x192xi32>
    %eq3A_96 = vector.broadcast %get3A_20 : vector<1x192xi32> to vector<192x192xi32>
    %eq3A_97 = arith.cmpi eq, %eq3A_95, %eq3A_96 : vector<192x192xi32>
    %ge3A = arith.constant 0 : i32
    %ge3A_98 = vector.broadcast %ge3A : i32 to vector<192x1xi32>
    %ge3A_99 = arith.cmpi sge, %get3A_25, %ge3A_98 : vector<192x1xi32>
    %and3A = vector.broadcast %ge3A_99 : vector<192x1xi1> to vector<192x192xi1>
    %and3A_100 = arith.andi %eq3A_97, %and3A : vector<192x192xi1>
    %not3A = arith.constant dense<true> : vector<192x192xi1>
    %not3A_101 = arith.xori %eq3A_94, %not3A : vector<192x192xi1>
    %and3A_102 = arith.andi %and3A_100, %not3A_101 : vector<192x192xi1>
    %convert_element_type3A_103 = arith.extui %eq3A_94 : vector<192x192xi1> to vector<192x192xi32>
    %convert_element_type3A_104 = arith.sitofp %convert_element_type3A_103 : vector<192x192xi32> to vector<192x192xf32>
    %add3A_105 = arith.addf %add3A_91, %convert_element_type3A_104 : vector<192x192xf32>
    %sqrt3A = math.sqrt %add3A_105 : vector<192x192xf32>
    %jit3A = arith.constant 0x7F800000 : f32
    %broadcast_in_dim3A_106 = vector.broadcast %jit3A : f32 to vector<192x192xf32>
    %select_n3A = arith.select %and3A_102, %sqrt3A, %broadcast_in_dim3A_106 : vector<192x192xi1>, vector<192x192xf32>
    %reduce_min3A = arith.constant dense<0x7F800000> : vector<192xf32>
    %reduce_min3A_107 = vector.multi_reduction <minimumf>, %select_n3A, %reduce_min3A [1] : vector<192x192xf32> to vector<192xf32>
    %broadcast_in_dim3A_108 = vector.shape_cast %reduce_min3A_107 : vector<192xf32> to vector<192x1xf32>
    %eq3A_109 = vector.broadcast %broadcast_in_dim3A_108 : vector<192x1xf32> to vector<192x192xf32>
    %eq3A_110 = arith.cmpf oeq, %select_n3A, %eq3A_109 : vector<192x192xf32>
    %jit3A_111 = arith.constant 1.920000e+02 : f32
    %broadcast_in_dim3A_112 = vector.broadcast %jit3A_111 : f32 to vector<192x192xf32>
    %select_n3A_113 = arith.select %eq3A_110, %convert_element_type3A_35, %broadcast_in_dim3A_112 : vector<192x192xi1>, vector<192x192xf32>
    %reduce_min3A_114 = arith.constant dense<0x7F800000> : vector<192xf32>
    %reduce_min3A_115 = vector.multi_reduction <minimumf>, %select_n3A_113, %reduce_min3A_114 [1] : vector<192x192xf32> to vector<192xf32>
    %broadcast_in_dim3A_116 = vector.shape_cast %reduce_min3A_115 : vector<192xf32> to vector<192x1xf32>
    %eq3A_117 = vector.broadcast %broadcast_in_dim3A_116 : vector<192x1xf32> to vector<192x192xf32>
    %eq3A_118 = arith.cmpf oeq, %convert_element_type3A_35, %eq3A_117 : vector<192x192xf32>
    %jit3A_119 = arith.constant 0x7F800000 : f32
    %broadcast_in_dim3A_120 = vector.broadcast %jit3A_119 : f32 to vector<192x192xf32>
    %select_n3A_121 = arith.select %eq3A_118, %broadcast_in_dim3A_120, %select_n3A : vector<192x192xi1>, vector<192x192xf32>
    %reduce_min3A_122 = arith.constant dense<0x7F800000> : vector<192xf32>
    %reduce_min3A_123 = vector.multi_reduction <minimumf>, %select_n3A_121, %reduce_min3A_122 [1] : vector<192x192xf32> to vector<192xf32>
    %broadcast_in_dim3A_124 = vector.shape_cast %reduce_min3A_123 : vector<192xf32> to vector<192x1xf32>
    %eq3A_125 = vector.broadcast %broadcast_in_dim3A_124 : vector<192x1xf32> to vector<192x192xf32>
    %eq3A_126 = arith.cmpf oeq, %select_n3A_121, %eq3A_125 : vector<192x192xf32>
    %jit3A_127 = arith.constant 1.920000e+02 : f32
    %broadcast_in_dim3A_128 = vector.broadcast %jit3A_127 : f32 to vector<192x192xf32>
    %select_n3A_129 = arith.select %eq3A_126, %convert_element_type3A_35, %broadcast_in_dim3A_128 : vector<192x192xi1>, vector<192x192xf32>
    %reduce_min3A_130 = arith.constant dense<0x7F800000> : vector<192xf32>
    %reduce_min3A_131 = vector.multi_reduction <minimumf>, %select_n3A_129, %reduce_min3A_130 [1] : vector<192x192xf32> to vector<192xf32>
    %broadcast_in_dim3A_132 = vector.shape_cast %reduce_min3A_131 : vector<192xf32> to vector<192x1xf32>
    %eq3A_133 = vector.broadcast %broadcast_in_dim3A_132 : vector<192x1xf32> to vector<192x192xf32>
    %eq3A_134 = arith.cmpf oeq, %convert_element_type3A_35, %eq3A_133 : vector<192x192xf32>
    %jit3A_135 = arith.constant 0x7F800000 : f32
    %broadcast_in_dim3A_136 = vector.broadcast %jit3A_135 : f32 to vector<192x192xf32>
    %select_n3A_137 = arith.select %eq3A_134, %broadcast_in_dim3A_136, %select_n3A_121 : vector<192x192xi1>, vector<192x192xf32>
    %reduce_min3A_138 = arith.constant dense<0x7F800000> : vector<192xf32>
    %reduce_min3A_139 = vector.multi_reduction <minimumf>, %select_n3A_137, %reduce_min3A_138 [1] : vector<192x192xf32> to vector<192xf32>
    %broadcast_in_dim3A_140 = vector.shape_cast %reduce_min3A_139 : vector<192xf32> to vector<192x1xf32>
    %eq3A_141 = vector.broadcast %broadcast_in_dim3A_140 : vector<192x1xf32> to vector<192x192xf32>
    %eq3A_142 = arith.cmpf oeq, %select_n3A_137, %eq3A_141 : vector<192x192xf32>
    %jit3A_143 = arith.constant 1.920000e+02 : f32
    %broadcast_in_dim3A_144 = vector.broadcast %jit3A_143 : f32 to vector<192x192xf32>
    %select_n3A_145 = arith.select %eq3A_142, %convert_element_type3A_35, %broadcast_in_dim3A_144 : vector<192x192xi1>, vector<192x192xf32>
    %reduce_min3A_146 = arith.constant dense<0x7F800000> : vector<192xf32>
    %reduce_min3A_147 = vector.multi_reduction <minimumf>, %select_n3A_145, %reduce_min3A_146 [1] : vector<192x192xf32> to vector<192xf32>
    %broadcast_in_dim3A_148 = vector.shape_cast %reduce_min3A_147 : vector<192xf32> to vector<192x1xf32>
    %eq3A_149 = vector.broadcast %broadcast_in_dim3A_148 : vector<192x1xf32> to vector<192x192xf32>
    %eq3A_150 = arith.cmpf oeq, %convert_element_type3A_35, %eq3A_149 : vector<192x192xf32>
    %jit3A_151 = arith.constant 0x7F800000 : f32
    %broadcast_in_dim3A_152 = vector.broadcast %jit3A_151 : f32 to vector<192x192xf32>
    %select_n3A_153 = arith.select %eq3A_150, %broadcast_in_dim3A_152, %select_n3A_137 : vector<192x192xi1>, vector<192x192xf32>
    %reduce_min3A_154 = arith.constant dense<0x7F800000> : vector<192xf32>
    %reduce_min3A_155 = vector.multi_reduction <minimumf>, %select_n3A_153, %reduce_min3A_154 [1] : vector<192x192xf32> to vector<192xf32>
    %broadcast_in_dim3A_156 = vector.shape_cast %reduce_min3A_155 : vector<192xf32> to vector<192x1xf32>
    %eq3A_157 = vector.broadcast %broadcast_in_dim3A_156 : vector<192x1xf32> to vector<192x192xf32>
    %eq3A_158 = arith.cmpf oeq, %select_n3A_153, %eq3A_157 : vector<192x192xf32>
    %jit3A_159 = arith.constant 1.920000e+02 : f32
    %broadcast_in_dim3A_160 = vector.broadcast %jit3A_159 : f32 to vector<192x192xf32>
    %select_n3A_161 = arith.select %eq3A_158, %convert_element_type3A_35, %broadcast_in_dim3A_160 : vector<192x192xi1>, vector<192x192xf32>
    %reduce_min3A_162 = arith.constant dense<0x7F800000> : vector<192xf32>
    %reduce_min3A_163 = vector.multi_reduction <minimumf>, %select_n3A_161, %reduce_min3A_162 [1] : vector<192x192xf32> to vector<192xf32>
    %broadcast_in_dim3A_164 = vector.shape_cast %reduce_min3A_163 : vector<192xf32> to vector<192x1xf32>
    %eq3A_165 = vector.broadcast %broadcast_in_dim3A_164 : vector<192x1xf32> to vector<192x192xf32>
    %eq3A_166 = arith.cmpf oeq, %convert_element_type3A_35, %eq3A_165 : vector<192x192xf32>
    %jit3A_167 = arith.constant 0x7F800000 : f32
    %broadcast_in_dim3A_168 = vector.broadcast %jit3A_167 : f32 to vector<192x192xf32>
    %select_n3A_169 = arith.select %eq3A_166, %broadcast_in_dim3A_168, %select_n3A_153 : vector<192x192xi1>, vector<192x192xf32>
    %reduce_min3A_170 = arith.constant dense<0x7F800000> : vector<192xf32>
    %reduce_min3A_171 = vector.multi_reduction <minimumf>, %select_n3A_169, %reduce_min3A_170 [1] : vector<192x192xf32> to vector<192xf32>
    %broadcast_in_dim3A_172 = vector.shape_cast %reduce_min3A_171 : vector<192xf32> to vector<192x1xf32>
    %eq3A_173 = vector.broadcast %broadcast_in_dim3A_172 : vector<192x1xf32> to vector<192x192xf32>
    %eq3A_174 = arith.cmpf oeq, %select_n3A_169, %eq3A_173 : vector<192x192xf32>
    %jit3A_175 = arith.constant 1.920000e+02 : f32
    %broadcast_in_dim3A_176 = vector.broadcast %jit3A_175 : f32 to vector<192x192xf32>
    %select_n3A_177 = arith.select %eq3A_174, %convert_element_type3A_35, %broadcast_in_dim3A_176 : vector<192x192xi1>, vector<192x192xf32>
    %reduce_min3A_178 = arith.constant dense<0x7F800000> : vector<192xf32>
    %reduce_min3A_179 = vector.multi_reduction <minimumf>, %select_n3A_177, %reduce_min3A_178 [1] : vector<192x192xf32> to vector<192xf32>
    %broadcast_in_dim3A_180 = vector.shape_cast %reduce_min3A_179 : vector<192xf32> to vector<192x1xf32>
    %eq3A_181 = vector.broadcast %broadcast_in_dim3A_180 : vector<192x1xf32> to vector<192x192xf32>
    %eq3A_182 = arith.cmpf oeq, %convert_element_type3A_35, %eq3A_181 : vector<192x192xf32>
    %jit3A_183 = arith.constant 0x7F800000 : f32
    %broadcast_in_dim3A_184 = vector.broadcast %jit3A_183 : f32 to vector<192x192xf32>
    %select_n3A_185 = arith.select %eq3A_182, %broadcast_in_dim3A_184, %select_n3A_169 : vector<192x192xi1>, vector<192x192xf32>
    %reduce_min3A_186 = arith.constant dense<0x7F800000> : vector<192xf32>
    %reduce_min3A_187 = vector.multi_reduction <minimumf>, %select_n3A_185, %reduce_min3A_186 [1] : vector<192x192xf32> to vector<192xf32>
    %broadcast_in_dim3A_188 = vector.shape_cast %reduce_min3A_187 : vector<192xf32> to vector<192x1xf32>
    %eq3A_189 = vector.broadcast %broadcast_in_dim3A_188 : vector<192x1xf32> to vector<192x192xf32>
    %eq3A_190 = arith.cmpf oeq, %select_n3A_185, %eq3A_189 : vector<192x192xf32>
    %jit3A_191 = arith.constant 1.920000e+02 : f32
    %broadcast_in_dim3A_192 = vector.broadcast %jit3A_191 : f32 to vector<192x192xf32>
    %select_n3A_193 = arith.select %eq3A_190, %convert_element_type3A_35, %broadcast_in_dim3A_192 : vector<192x192xi1>, vector<192x192xf32>
    %reduce_min3A_194 = arith.constant dense<0x7F800000> : vector<192xf32>
    %reduce_min3A_195 = vector.multi_reduction <minimumf>, %select_n3A_193, %reduce_min3A_194 [1] : vector<192x192xf32> to vector<192xf32>
    %broadcast_in_dim3A_196 = vector.shape_cast %reduce_min3A_195 : vector<192xf32> to vector<192x1xf32>
    %eq3A_197 = vector.broadcast %broadcast_in_dim3A_196 : vector<192x1xf32> to vector<192x192xf32>
    %eq3A_198 = arith.cmpf oeq, %convert_element_type3A_35, %eq3A_197 : vector<192x192xf32>
    %jit3A_199 = arith.constant 0x7F800000 : f32
    %broadcast_in_dim3A_200 = vector.broadcast %jit3A_199 : f32 to vector<192x192xf32>
    %select_n3A_201 = arith.select %eq3A_198, %broadcast_in_dim3A_200, %select_n3A_185 : vector<192x192xi1>, vector<192x192xf32>
    %reduce_min3A_202 = arith.constant dense<0x7F800000> : vector<192xf32>
    %reduce_min3A_203 = vector.multi_reduction <minimumf>, %select_n3A_201, %reduce_min3A_202 [1] : vector<192x192xf32> to vector<192xf32>
    %broadcast_in_dim3A_204 = vector.shape_cast %reduce_min3A_203 : vector<192xf32> to vector<192x1xf32>
    %eq3A_205 = vector.broadcast %broadcast_in_dim3A_204 : vector<192x1xf32> to vector<192x192xf32>
    %eq3A_206 = arith.cmpf oeq, %select_n3A_201, %eq3A_205 : vector<192x192xf32>
    %jit3A_207 = arith.constant 1.920000e+02 : f32
    %broadcast_in_dim3A_208 = vector.broadcast %jit3A_207 : f32 to vector<192x192xf32>
    %select_n3A_209 = arith.select %eq3A_206, %convert_element_type3A_35, %broadcast_in_dim3A_208 : vector<192x192xi1>, vector<192x192xf32>
    %reduce_min3A_210 = arith.constant dense<0x7F800000> : vector<192xf32>
    %reduce_min3A_211 = vector.multi_reduction <minimumf>, %select_n3A_209, %reduce_min3A_210 [1] : vector<192x192xf32> to vector<192xf32>
    %broadcast_in_dim3A_212 = vector.shape_cast %reduce_min3A_211 : vector<192xf32> to vector<192x1xf32>
    %eq3A_213 = vector.broadcast %broadcast_in_dim3A_212 : vector<192x1xf32> to vector<192x192xf32>
    %eq3A_214 = arith.cmpf oeq, %convert_element_type3A_35, %eq3A_213 : vector<192x192xf32>
    %jit3A_215 = arith.constant 0x7F800000 : f32
    %broadcast_in_dim3A_216 = vector.broadcast %jit3A_215 : f32 to vector<192x192xf32>
    %select_n3A_217 = arith.select %eq3A_214, %broadcast_in_dim3A_216, %select_n3A_201 : vector<192x192xi1>, vector<192x192xf32>
    %reduce_min3A_218 = arith.constant dense<0x7F800000> : vector<192xf32>
    %reduce_min3A_219 = vector.multi_reduction <minimumf>, %select_n3A_217, %reduce_min3A_218 [1] : vector<192x192xf32> to vector<192xf32>
    %broadcast_in_dim3A_220 = vector.shape_cast %reduce_min3A_219 : vector<192xf32> to vector<192x1xf32>
    %eq3A_221 = vector.broadcast %broadcast_in_dim3A_220 : vector<192x1xf32> to vector<192x192xf32>
    %eq3A_222 = arith.cmpf oeq, %select_n3A_217, %eq3A_221 : vector<192x192xf32>
    %jit3A_223 = arith.constant 1.920000e+02 : f32
    %broadcast_in_dim3A_224 = vector.broadcast %jit3A_223 : f32 to vector<192x192xf32>
    %select_n3A_225 = arith.select %eq3A_222, %convert_element_type3A_35, %broadcast_in_dim3A_224 : vector<192x192xi1>, vector<192x192xf32>
    %reduce_min3A_226 = arith.constant dense<0x7F800000> : vector<192xf32>
    %reduce_min3A_227 = vector.multi_reduction <minimumf>, %select_n3A_225, %reduce_min3A_226 [1] : vector<192x192xf32> to vector<192xf32>
    %broadcast_in_dim3A_228 = vector.shape_cast %reduce_min3A_227 : vector<192xf32> to vector<192x1xf32>
    %eq3A_229 = vector.broadcast %broadcast_in_dim3A_228 : vector<192x1xf32> to vector<192x192xf32>
    %eq3A_230 = arith.cmpf oeq, %convert_element_type3A_35, %eq3A_229 : vector<192x192xf32>
    %jit3A_231 = arith.constant 0x7F800000 : f32
    %broadcast_in_dim3A_232 = vector.broadcast %jit3A_231 : f32 to vector<192x192xf32>
    %select_n3A_233 = arith.select %eq3A_230, %broadcast_in_dim3A_232, %select_n3A_217 : vector<192x192xi1>, vector<192x192xf32>
    %reduce_min3A_234 = arith.constant dense<0x7F800000> : vector<192xf32>
    %reduce_min3A_235 = vector.multi_reduction <minimumf>, %select_n3A_233, %reduce_min3A_234 [1] : vector<192x192xf32> to vector<192xf32>
    %broadcast_in_dim3A_236 = vector.shape_cast %reduce_min3A_235 : vector<192xf32> to vector<192x1xf32>
    %eq3A_237 = vector.broadcast %broadcast_in_dim3A_236 : vector<192x1xf32> to vector<192x192xf32>
    %eq3A_238 = arith.cmpf oeq, %select_n3A_233, %eq3A_237 : vector<192x192xf32>
    %jit3A_239 = arith.constant 1.920000e+02 : f32
    %broadcast_in_dim3A_240 = vector.broadcast %jit3A_239 : f32 to vector<192x192xf32>
    %select_n3A_241 = arith.select %eq3A_238, %convert_element_type3A_35, %broadcast_in_dim3A_240 : vector<192x192xi1>, vector<192x192xf32>
    %reduce_min3A_242 = arith.constant dense<0x7F800000> : vector<192xf32>
    %reduce_min3A_243 = vector.multi_reduction <minimumf>, %select_n3A_241, %reduce_min3A_242 [1] : vector<192x192xf32> to vector<192xf32>
    %broadcast_in_dim3A_244 = vector.shape_cast %reduce_min3A_243 : vector<192xf32> to vector<192x1xf32>
    %eq3A_245 = vector.broadcast %broadcast_in_dim3A_244 : vector<192x1xf32> to vector<192x192xf32>
    %eq3A_246 = arith.cmpf oeq, %convert_element_type3A_35, %eq3A_245 : vector<192x192xf32>
    %jit3A_247 = arith.constant 0x7F800000 : f32
    %broadcast_in_dim3A_248 = vector.broadcast %jit3A_247 : f32 to vector<192x192xf32>
    %select_n3A_249 = arith.select %eq3A_246, %broadcast_in_dim3A_248, %select_n3A_233 : vector<192x192xi1>, vector<192x192xf32>
    %reduce_min3A_250 = arith.constant dense<0x7F800000> : vector<192xf32>
    %reduce_min3A_251 = vector.multi_reduction <minimumf>, %select_n3A_249, %reduce_min3A_250 [1] : vector<192x192xf32> to vector<192xf32>
    %broadcast_in_dim3A_252 = vector.shape_cast %reduce_min3A_251 : vector<192xf32> to vector<192x1xf32>
    %eq3A_253 = vector.broadcast %broadcast_in_dim3A_252 : vector<192x1xf32> to vector<192x192xf32>
    %eq3A_254 = arith.cmpf oeq, %select_n3A_249, %eq3A_253 : vector<192x192xf32>
    %jit3A_255 = arith.constant 1.920000e+02 : f32
    %broadcast_in_dim3A_256 = vector.broadcast %jit3A_255 : f32 to vector<192x192xf32>
    %select_n3A_257 = arith.select %eq3A_254, %convert_element_type3A_35, %broadcast_in_dim3A_256 : vector<192x192xi1>, vector<192x192xf32>
    %reduce_min3A_258 = arith.constant dense<0x7F800000> : vector<192xf32>
    %reduce_min3A_259 = vector.multi_reduction <minimumf>, %select_n3A_257, %reduce_min3A_258 [1] : vector<192x192xf32> to vector<192xf32>
    %broadcast_in_dim3A_260 = vector.shape_cast %reduce_min3A_259 : vector<192xf32> to vector<192x1xf32>
    %eq3A_261 = vector.broadcast %broadcast_in_dim3A_260 : vector<192x1xf32> to vector<192x192xf32>
    %eq3A_262 = arith.cmpf oeq, %convert_element_type3A_35, %eq3A_261 : vector<192x192xf32>
    %jit3A_263 = arith.constant 0x7F800000 : f32
    %broadcast_in_dim3A_264 = vector.broadcast %jit3A_263 : f32 to vector<192x192xf32>
    %select_n3A_265 = arith.select %eq3A_262, %broadcast_in_dim3A_264, %select_n3A_249 : vector<192x192xi1>, vector<192x192xf32>
    %reduce_min3A_266 = arith.constant dense<0x7F800000> : vector<192xf32>
    %reduce_min3A_267 = vector.multi_reduction <minimumf>, %select_n3A_265, %reduce_min3A_266 [1] : vector<192x192xf32> to vector<192xf32>
    %broadcast_in_dim3A_268 = vector.shape_cast %reduce_min3A_267 : vector<192xf32> to vector<192x1xf32>
    %eq3A_269 = vector.broadcast %broadcast_in_dim3A_268 : vector<192x1xf32> to vector<192x192xf32>
    %eq3A_270 = arith.cmpf oeq, %select_n3A_265, %eq3A_269 : vector<192x192xf32>
    %jit3A_271 = arith.constant 1.920000e+02 : f32
    %broadcast_in_dim3A_272 = vector.broadcast %jit3A_271 : f32 to vector<192x192xf32>
    %select_n3A_273 = arith.select %eq3A_270, %convert_element_type3A_35, %broadcast_in_dim3A_272 : vector<192x192xi1>, vector<192x192xf32>
    %reduce_min3A_274 = arith.constant dense<0x7F800000> : vector<192xf32>
    %reduce_min3A_275 = vector.multi_reduction <minimumf>, %select_n3A_273, %reduce_min3A_274 [1] : vector<192x192xf32> to vector<192xf32>
    %broadcast_in_dim3A_276 = vector.shape_cast %reduce_min3A_275 : vector<192xf32> to vector<192x1xf32>
    %eq3A_277 = vector.broadcast %broadcast_in_dim3A_276 : vector<192x1xf32> to vector<192x192xf32>
    %eq3A_278 = arith.cmpf oeq, %convert_element_type3A_35, %eq3A_277 : vector<192x192xf32>
    %jit3A_279 = arith.constant 0x7F800000 : f32
    %broadcast_in_dim3A_280 = vector.broadcast %jit3A_279 : f32 to vector<192x192xf32>
    %select_n3A_281 = arith.select %eq3A_278, %broadcast_in_dim3A_280, %select_n3A_265 : vector<192x192xi1>, vector<192x192xf32>
    %reduce_min3A_282 = arith.constant dense<0x7F800000> : vector<192xf32>
    %reduce_min3A_283 = vector.multi_reduction <minimumf>, %select_n3A_281, %reduce_min3A_282 [1] : vector<192x192xf32> to vector<192xf32>
    %broadcast_in_dim3A_284 = vector.shape_cast %reduce_min3A_283 : vector<192xf32> to vector<192x1xf32>
    %eq3A_285 = vector.broadcast %broadcast_in_dim3A_284 : vector<192x1xf32> to vector<192x192xf32>
    %eq3A_286 = arith.cmpf oeq, %select_n3A_281, %eq3A_285 : vector<192x192xf32>
    %jit3A_287 = arith.constant 1.920000e+02 : f32
    %broadcast_in_dim3A_288 = vector.broadcast %jit3A_287 : f32 to vector<192x192xf32>
    %select_n3A_289 = arith.select %eq3A_286, %convert_element_type3A_35, %broadcast_in_dim3A_288 : vector<192x192xi1>, vector<192x192xf32>
    %reduce_min3A_290 = arith.constant dense<0x7F800000> : vector<192xf32>
    %reduce_min3A_291 = vector.multi_reduction <minimumf>, %select_n3A_289, %reduce_min3A_290 [1] : vector<192x192xf32> to vector<192xf32>
    %broadcast_in_dim3A_292 = vector.shape_cast %reduce_min3A_291 : vector<192xf32> to vector<192x1xf32>
    %get3A_293 = arith.constant 0 : index
    %get3A_294 = arith.constant 0 : index
    %get3A_295 = arith.constant 0 : index
    %get3A_296 = vector.load %arg4[%get3A_293, %get3A_294, %get3A_295] : memref<1x192x1xi32, #tpu.memory_space<vmem>>, vector<1x192x1xi32>
    %get3A_297 = vector.shape_cast %get3A_296 : vector<1x192x1xi32> to vector<192x1xi32>
    %iota3A_298 = tpu.iota {dimensions = array<i32: 1>} : vector<1x128xi32>
    %eq3A_299 = vector.broadcast %get3A_297 : vector<192x1xi32> to vector<192x128xi32>
    %eq3A_300 = vector.broadcast %iota3A_298 : vector<1x128xi32> to vector<192x128xi32>
    %eq3A_301 = arith.cmpi eq, %eq3A_299, %eq3A_300 : vector<192x128xi32>
    %convert_element_type3A_302 = arith.extui %eq3A_301 : vector<192x128xi1> to vector<192x128xi32>
    %convert_element_type3A_303 = arith.sitofp %convert_element_type3A_302 : vector<192x128xi32> to vector<192x128xf32>
    %get3A_304 = arith.constant 0 : index
    %get3A_305 = arith.constant 0 : index
    %get3A_306 = vector.load %arg9[%get3A_304, %get3A_305] : memref<128x128xf32, #tpu.memory_space<vmem>>, vector<128x128xf32>
    %dot_general3A = arith.constant dense<0.000000e+00> : vector<192x128xf32>
    %dot_general3A_307 = tpu.matmul %convert_element_type3A_303, %get3A_306, %dot_general3A {dimension_numbers = #tpu.dot_dimension_numbers<[1], [0], [0], [1], [0, 0, 1, 1], [], []>, transpose_lhs_hint = false} : vector<192x128xf32>, vector<128x128xf32>, vector<192x128xf32> -> vector<192x128xf32>
    %get3A_308 = arith.constant 0 : index
    %get3A_309 = arith.constant 0 : index
    %get3A_310 = vector.load %arg20[%get3A_308, %get3A_309] : memref<1x128xf32, #tpu.memory_space<vmem>>, vector<1x128xf32>
    %sub3A_311 = vector.broadcast %broadcast_in_dim3A_108 : vector<192x1xf32> to vector<192x128xf32>
    %sub3A_312 = vector.broadcast %get3A_310 : vector<1x128xf32> to vector<192x128xf32>
    %sub3A_313 = arith.subf %sub3A_311, %sub3A_312 : vector<192x128xf32>
    %mul3A_314 = arith.constant -126.007813 : f32
    %mul3A_315 = vector.broadcast %mul3A_314 : f32 to vector<192x128xf32>
    %mul3A_316 = arith.mulf %mul3A_315, %sub3A_313 : vector<192x128xf32>
    %mul3A_317 = arith.mulf %mul3A_316, %sub3A_313 : vector<192x128xf32>
    %exp3A = math.exp %mul3A_317 : vector<192x128xf32>
    %eq3A_318 = vector.broadcast %broadcast_in_dim3A_116 : vector<192x1xf32> to vector<192x192xf32>
    %eq3A_319 = vector.broadcast %convert_element_type3A_31 : vector<1x192xf32> to vector<192x192xf32>
    %eq3A_320 = arith.cmpf oeq, %eq3A_318, %eq3A_319 : vector<192x192xf32>
    %convert_element_type3A_321 = arith.extui %eq3A_320 : vector<192x192xi1> to vector<192x192xi32>
    %convert_element_type3A_322 = arith.sitofp %convert_element_type3A_321 : vector<192x192xi32> to vector<192x192xf32>
    %slice3A_323 = vector.extract_strided_slice %get3A_30 {offsets = [0, 0], sizes = [192, 1], strides = [1, 1]} : vector<192x12xf32> to vector<192x1xf32>
    %sub3A_324 = vector.broadcast %broadcast_in_dim3A_124 : vector<192x1xf32> to vector<192x128xf32>
    %sub3A_325 = vector.broadcast %get3A_310 : vector<1x128xf32> to vector<192x128xf32>
    %sub3A_326 = arith.subf %sub3A_324, %sub3A_325 : vector<192x128xf32>
    %mul3A_327 = arith.constant -126.007813 : f32
    %mul3A_328 = vector.broadcast %mul3A_327 : f32 to vector<192x128xf32>
    %mul3A_329 = arith.mulf %mul3A_328, %sub3A_326 : vector<192x128xf32>
    %mul3A_330 = arith.mulf %mul3A_329, %sub3A_326 : vector<192x128xf32>
    %exp3A_331 = math.exp %mul3A_330 : vector<192x128xf32>
    %eq3A_332 = vector.broadcast %broadcast_in_dim3A_132 : vector<192x1xf32> to vector<192x192xf32>
    %eq3A_333 = vector.broadcast %convert_element_type3A_31 : vector<1x192xf32> to vector<192x192xf32>
    %eq3A_334 = arith.cmpf oeq, %eq3A_332, %eq3A_333 : vector<192x192xf32>
    %convert_element_type3A_335 = arith.extui %eq3A_334 : vector<192x192xi1> to vector<192x192xi32>
    %convert_element_type3A_336 = arith.sitofp %convert_element_type3A_335 : vector<192x192xi32> to vector<192x192xf32>
    %slice3A_337 = vector.extract_strided_slice %get3A_30 {offsets = [0, 1], sizes = [192, 1], strides = [1, 1]} : vector<192x12xf32> to vector<192x1xf32>
    %sub3A_338 = vector.broadcast %broadcast_in_dim3A_140 : vector<192x1xf32> to vector<192x128xf32>
    %sub3A_339 = vector.broadcast %get3A_310 : vector<1x128xf32> to vector<192x128xf32>
    %sub3A_340 = arith.subf %sub3A_338, %sub3A_339 : vector<192x128xf32>
    %mul3A_341 = arith.constant -126.007813 : f32
    %mul3A_342 = vector.broadcast %mul3A_341 : f32 to vector<192x128xf32>
    %mul3A_343 = arith.mulf %mul3A_342, %sub3A_340 : vector<192x128xf32>
    %mul3A_344 = arith.mulf %mul3A_343, %sub3A_340 : vector<192x128xf32>
    %exp3A_345 = math.exp %mul3A_344 : vector<192x128xf32>
    %eq3A_346 = vector.broadcast %broadcast_in_dim3A_148 : vector<192x1xf32> to vector<192x192xf32>
    %eq3A_347 = vector.broadcast %convert_element_type3A_31 : vector<1x192xf32> to vector<192x192xf32>
    %eq3A_348 = arith.cmpf oeq, %eq3A_346, %eq3A_347 : vector<192x192xf32>
    %convert_element_type3A_349 = arith.extui %eq3A_348 : vector<192x192xi1> to vector<192x192xi32>
    %convert_element_type3A_350 = arith.sitofp %convert_element_type3A_349 : vector<192x192xi32> to vector<192x192xf32>
    %slice3A_351 = vector.extract_strided_slice %get3A_30 {offsets = [0, 2], sizes = [192, 1], strides = [1, 1]} : vector<192x12xf32> to vector<192x1xf32>
    %sub3A_352 = vector.broadcast %broadcast_in_dim3A_156 : vector<192x1xf32> to vector<192x128xf32>
    %sub3A_353 = vector.broadcast %get3A_310 : vector<1x128xf32> to vector<192x128xf32>
    %sub3A_354 = arith.subf %sub3A_352, %sub3A_353 : vector<192x128xf32>
    %mul3A_355 = arith.constant -126.007813 : f32
    %mul3A_356 = vector.broadcast %mul3A_355 : f32 to vector<192x128xf32>
    %mul3A_357 = arith.mulf %mul3A_356, %sub3A_354 : vector<192x128xf32>
    %mul3A_358 = arith.mulf %mul3A_357, %sub3A_354 : vector<192x128xf32>
    %exp3A_359 = math.exp %mul3A_358 : vector<192x128xf32>
    %eq3A_360 = vector.broadcast %broadcast_in_dim3A_164 : vector<192x1xf32> to vector<192x192xf32>
    %eq3A_361 = vector.broadcast %convert_element_type3A_31 : vector<1x192xf32> to vector<192x192xf32>
    %eq3A_362 = arith.cmpf oeq, %eq3A_360, %eq3A_361 : vector<192x192xf32>
    %convert_element_type3A_363 = arith.extui %eq3A_362 : vector<192x192xi1> to vector<192x192xi32>
    %convert_element_type3A_364 = arith.sitofp %convert_element_type3A_363 : vector<192x192xi32> to vector<192x192xf32>
    %slice3A_365 = vector.extract_strided_slice %get3A_30 {offsets = [0, 3], sizes = [192, 1], strides = [1, 1]} : vector<192x12xf32> to vector<192x1xf32>
    %sub3A_366 = vector.broadcast %broadcast_in_dim3A_172 : vector<192x1xf32> to vector<192x128xf32>
    %sub3A_367 = vector.broadcast %get3A_310 : vector<1x128xf32> to vector<192x128xf32>
    %sub3A_368 = arith.subf %sub3A_366, %sub3A_367 : vector<192x128xf32>
    %mul3A_369 = arith.constant -126.007813 : f32
    %mul3A_370 = vector.broadcast %mul3A_369 : f32 to vector<192x128xf32>
    %mul3A_371 = arith.mulf %mul3A_370, %sub3A_368 : vector<192x128xf32>
    %mul3A_372 = arith.mulf %mul3A_371, %sub3A_368 : vector<192x128xf32>
    %exp3A_373 = math.exp %mul3A_372 : vector<192x128xf32>
    %eq3A_374 = vector.broadcast %broadcast_in_dim3A_180 : vector<192x1xf32> to vector<192x192xf32>
    %eq3A_375 = vector.broadcast %convert_element_type3A_31 : vector<1x192xf32> to vector<192x192xf32>
    %eq3A_376 = arith.cmpf oeq, %eq3A_374, %eq3A_375 : vector<192x192xf32>
    %convert_element_type3A_377 = arith.extui %eq3A_376 : vector<192x192xi1> to vector<192x192xi32>
    %convert_element_type3A_378 = arith.sitofp %convert_element_type3A_377 : vector<192x192xi32> to vector<192x192xf32>
    %slice3A_379 = vector.extract_strided_slice %get3A_30 {offsets = [0, 4], sizes = [192, 1], strides = [1, 1]} : vector<192x12xf32> to vector<192x1xf32>
    %sub3A_380 = vector.broadcast %broadcast_in_dim3A_188 : vector<192x1xf32> to vector<192x128xf32>
    %sub3A_381 = vector.broadcast %get3A_310 : vector<1x128xf32> to vector<192x128xf32>
    %sub3A_382 = arith.subf %sub3A_380, %sub3A_381 : vector<192x128xf32>
    %mul3A_383 = arith.constant -126.007813 : f32
    %mul3A_384 = vector.broadcast %mul3A_383 : f32 to vector<192x128xf32>
    %mul3A_385 = arith.mulf %mul3A_384, %sub3A_382 : vector<192x128xf32>
    %mul3A_386 = arith.mulf %mul3A_385, %sub3A_382 : vector<192x128xf32>
    %exp3A_387 = math.exp %mul3A_386 : vector<192x128xf32>
    %eq3A_388 = vector.broadcast %broadcast_in_dim3A_196 : vector<192x1xf32> to vector<192x192xf32>
    %eq3A_389 = vector.broadcast %convert_element_type3A_31 : vector<1x192xf32> to vector<192x192xf32>
    %eq3A_390 = arith.cmpf oeq, %eq3A_388, %eq3A_389 : vector<192x192xf32>
    %convert_element_type3A_391 = arith.extui %eq3A_390 : vector<192x192xi1> to vector<192x192xi32>
    %convert_element_type3A_392 = arith.sitofp %convert_element_type3A_391 : vector<192x192xi32> to vector<192x192xf32>
    %slice3A_393 = vector.extract_strided_slice %get3A_30 {offsets = [0, 5], sizes = [192, 1], strides = [1, 1]} : vector<192x12xf32> to vector<192x1xf32>
    %sub3A_394 = vector.broadcast %broadcast_in_dim3A_204 : vector<192x1xf32> to vector<192x128xf32>
    %sub3A_395 = vector.broadcast %get3A_310 : vector<1x128xf32> to vector<192x128xf32>
    %sub3A_396 = arith.subf %sub3A_394, %sub3A_395 : vector<192x128xf32>
    %mul3A_397 = arith.constant -126.007813 : f32
    %mul3A_398 = vector.broadcast %mul3A_397 : f32 to vector<192x128xf32>
    %mul3A_399 = arith.mulf %mul3A_398, %sub3A_396 : vector<192x128xf32>
    %mul3A_400 = arith.mulf %mul3A_399, %sub3A_396 : vector<192x128xf32>
    %exp3A_401 = math.exp %mul3A_400 : vector<192x128xf32>
    %eq3A_402 = vector.broadcast %broadcast_in_dim3A_212 : vector<192x1xf32> to vector<192x192xf32>
    %eq3A_403 = vector.broadcast %convert_element_type3A_31 : vector<1x192xf32> to vector<192x192xf32>
    %eq3A_404 = arith.cmpf oeq, %eq3A_402, %eq3A_403 : vector<192x192xf32>
    %convert_element_type3A_405 = arith.extui %eq3A_404 : vector<192x192xi1> to vector<192x192xi32>
    %convert_element_type3A_406 = arith.sitofp %convert_element_type3A_405 : vector<192x192xi32> to vector<192x192xf32>
    %slice3A_407 = vector.extract_strided_slice %get3A_30 {offsets = [0, 6], sizes = [192, 1], strides = [1, 1]} : vector<192x12xf32> to vector<192x1xf32>
    %sub3A_408 = vector.broadcast %broadcast_in_dim3A_220 : vector<192x1xf32> to vector<192x128xf32>
    %sub3A_409 = vector.broadcast %get3A_310 : vector<1x128xf32> to vector<192x128xf32>
    %sub3A_410 = arith.subf %sub3A_408, %sub3A_409 : vector<192x128xf32>
    %mul3A_411 = arith.constant -126.007813 : f32
    %mul3A_412 = vector.broadcast %mul3A_411 : f32 to vector<192x128xf32>
    %mul3A_413 = arith.mulf %mul3A_412, %sub3A_410 : vector<192x128xf32>
    %mul3A_414 = arith.mulf %mul3A_413, %sub3A_410 : vector<192x128xf32>
    %exp3A_415 = math.exp %mul3A_414 : vector<192x128xf32>
    %eq3A_416 = vector.broadcast %broadcast_in_dim3A_228 : vector<192x1xf32> to vector<192x192xf32>
    %eq3A_417 = vector.broadcast %convert_element_type3A_31 : vector<1x192xf32> to vector<192x192xf32>
    %eq3A_418 = arith.cmpf oeq, %eq3A_416, %eq3A_417 : vector<192x192xf32>
    %convert_element_type3A_419 = arith.extui %eq3A_418 : vector<192x192xi1> to vector<192x192xi32>
    %convert_element_type3A_420 = arith.sitofp %convert_element_type3A_419 : vector<192x192xi32> to vector<192x192xf32>
    %slice3A_421 = vector.extract_strided_slice %get3A_30 {offsets = [0, 7], sizes = [192, 1], strides = [1, 1]} : vector<192x12xf32> to vector<192x1xf32>
    %sub3A_422 = vector.broadcast %broadcast_in_dim3A_236 : vector<192x1xf32> to vector<192x128xf32>
    %sub3A_423 = vector.broadcast %get3A_310 : vector<1x128xf32> to vector<192x128xf32>
    %sub3A_424 = arith.subf %sub3A_422, %sub3A_423 : vector<192x128xf32>
    %mul3A_425 = arith.constant -126.007813 : f32
    %mul3A_426 = vector.broadcast %mul3A_425 : f32 to vector<192x128xf32>
    %mul3A_427 = arith.mulf %mul3A_426, %sub3A_424 : vector<192x128xf32>
    %mul3A_428 = arith.mulf %mul3A_427, %sub3A_424 : vector<192x128xf32>
    %exp3A_429 = math.exp %mul3A_428 : vector<192x128xf32>
    %eq3A_430 = vector.broadcast %broadcast_in_dim3A_244 : vector<192x1xf32> to vector<192x192xf32>
    %eq3A_431 = vector.broadcast %convert_element_type3A_31 : vector<1x192xf32> to vector<192x192xf32>
    %eq3A_432 = arith.cmpf oeq, %eq3A_430, %eq3A_431 : vector<192x192xf32>
    %convert_element_type3A_433 = arith.extui %eq3A_432 : vector<192x192xi1> to vector<192x192xi32>
    %convert_element_type3A_434 = arith.sitofp %convert_element_type3A_433 : vector<192x192xi32> to vector<192x192xf32>
    %slice3A_435 = vector.extract_strided_slice %get3A_30 {offsets = [0, 8], sizes = [192, 1], strides = [1, 1]} : vector<192x12xf32> to vector<192x1xf32>
    %sub3A_436 = vector.broadcast %broadcast_in_dim3A_252 : vector<192x1xf32> to vector<192x128xf32>
    %sub3A_437 = vector.broadcast %get3A_310 : vector<1x128xf32> to vector<192x128xf32>
    %sub3A_438 = arith.subf %sub3A_436, %sub3A_437 : vector<192x128xf32>
    %mul3A_439 = arith.constant -126.007813 : f32
    %mul3A_440 = vector.broadcast %mul3A_439 : f32 to vector<192x128xf32>
    %mul3A_441 = arith.mulf %mul3A_440, %sub3A_438 : vector<192x128xf32>
    %mul3A_442 = arith.mulf %mul3A_441, %sub3A_438 : vector<192x128xf32>
    %exp3A_443 = math.exp %mul3A_442 : vector<192x128xf32>
    %eq3A_444 = vector.broadcast %broadcast_in_dim3A_260 : vector<192x1xf32> to vector<192x192xf32>
    %eq3A_445 = vector.broadcast %convert_element_type3A_31 : vector<1x192xf32> to vector<192x192xf32>
    %eq3A_446 = arith.cmpf oeq, %eq3A_444, %eq3A_445 : vector<192x192xf32>
    %convert_element_type3A_447 = arith.extui %eq3A_446 : vector<192x192xi1> to vector<192x192xi32>
    %convert_element_type3A_448 = arith.sitofp %convert_element_type3A_447 : vector<192x192xi32> to vector<192x192xf32>
    %slice3A_449 = vector.extract_strided_slice %get3A_30 {offsets = [0, 9], sizes = [192, 1], strides = [1, 1]} : vector<192x12xf32> to vector<192x1xf32>
    %sub3A_450 = vector.broadcast %broadcast_in_dim3A_268 : vector<192x1xf32> to vector<192x128xf32>
    %sub3A_451 = vector.broadcast %get3A_310 : vector<1x128xf32> to vector<192x128xf32>
    %sub3A_452 = arith.subf %sub3A_450, %sub3A_451 : vector<192x128xf32>
    %mul3A_453 = arith.constant -126.007813 : f32
    %mul3A_454 = vector.broadcast %mul3A_453 : f32 to vector<192x128xf32>
    %mul3A_455 = arith.mulf %mul3A_454, %sub3A_452 : vector<192x128xf32>
    %mul3A_456 = arith.mulf %mul3A_455, %sub3A_452 : vector<192x128xf32>
    %exp3A_457 = math.exp %mul3A_456 : vector<192x128xf32>
    %eq3A_458 = vector.broadcast %broadcast_in_dim3A_276 : vector<192x1xf32> to vector<192x192xf32>
    %eq3A_459 = vector.broadcast %convert_element_type3A_31 : vector<1x192xf32> to vector<192x192xf32>
    %eq3A_460 = arith.cmpf oeq, %eq3A_458, %eq3A_459 : vector<192x192xf32>
    %convert_element_type3A_461 = arith.extui %eq3A_460 : vector<192x192xi1> to vector<192x192xi32>
    %convert_element_type3A_462 = arith.sitofp %convert_element_type3A_461 : vector<192x192xi32> to vector<192x192xf32>
    %slice3A_463 = vector.extract_strided_slice %get3A_30 {offsets = [0, 10], sizes = [192, 1], strides = [1, 1]} : vector<192x12xf32> to vector<192x1xf32>
    %sub3A_464 = vector.broadcast %broadcast_in_dim3A_284 : vector<192x1xf32> to vector<192x128xf32>
    %sub3A_465 = vector.broadcast %get3A_310 : vector<1x128xf32> to vector<192x128xf32>
    %sub3A_466 = arith.subf %sub3A_464, %sub3A_465 : vector<192x128xf32>
    %mul3A_467 = arith.constant -126.007813 : f32
    %mul3A_468 = vector.broadcast %mul3A_467 : f32 to vector<192x128xf32>
    %mul3A_469 = arith.mulf %mul3A_468, %sub3A_466 : vector<192x128xf32>
    %mul3A_470 = arith.mulf %mul3A_469, %sub3A_466 : vector<192x128xf32>
    %exp3A_471 = math.exp %mul3A_470 : vector<192x128xf32>
    %eq3A_472 = vector.broadcast %broadcast_in_dim3A_292 : vector<192x1xf32> to vector<192x192xf32>
    %eq3A_473 = vector.broadcast %convert_element_type3A_31 : vector<1x192xf32> to vector<192x192xf32>
    %eq3A_474 = arith.cmpf oeq, %eq3A_472, %eq3A_473 : vector<192x192xf32>
    %convert_element_type3A_475 = arith.extui %eq3A_474 : vector<192x192xi1> to vector<192x192xi32>
    %convert_element_type3A_476 = arith.sitofp %convert_element_type3A_475 : vector<192x192xi32> to vector<192x192xf32>
    %slice3A_477 = vector.extract_strided_slice %get3A_30 {offsets = [0, 11], sizes = [192, 1], strides = [1, 1]} : vector<192x12xf32> to vector<192x1xf32>
    %concatenate3A = tpu.concatenate %convert_element_type3A_322, %convert_element_type3A_336, %convert_element_type3A_350, %convert_element_type3A_364, %convert_element_type3A_378, %convert_element_type3A_392, %convert_element_type3A_406, %convert_element_type3A_420, %convert_element_type3A_434, %convert_element_type3A_448, %convert_element_type3A_462, %convert_element_type3A_476 in 0 : vector<192x192xf32>, vector<192x192xf32>, vector<192x192xf32>, vector<192x192xf32>, vector<192x192xf32>, vector<192x192xf32>, vector<192x192xf32>, vector<192x192xf32>, vector<192x192xf32>, vector<192x192xf32>, vector<192x192xf32>, vector<192x192xf32> -> vector<2304x192xf32>
    %concatenate3A_478 = tpu.concatenate %exp3A, %exp3A_331, %exp3A_345, %exp3A_359, %exp3A_373, %exp3A_387, %exp3A_401, %exp3A_415, %exp3A_429, %exp3A_443, %exp3A_457, %exp3A_471 in 0 : vector<192x128xf32>, vector<192x128xf32>, vector<192x128xf32>, vector<192x128xf32>, vector<192x128xf32>, vector<192x128xf32>, vector<192x128xf32>, vector<192x128xf32>, vector<192x128xf32>, vector<192x128xf32>, vector<192x128xf32>, vector<192x128xf32> -> vector<2304x128xf32>
    %concatenate3A_479 = tpu.concatenate %slice3A_323, %slice3A_337, %slice3A_351, %slice3A_365, %slice3A_379, %slice3A_393, %slice3A_407, %slice3A_421, %slice3A_435, %slice3A_449, %slice3A_463, %slice3A_477 in 0 : vector<192x1xf32>, vector<192x1xf32>, vector<192x1xf32>, vector<192x1xf32>, vector<192x1xf32>, vector<192x1xf32>, vector<192x1xf32>, vector<192x1xf32>, vector<192x1xf32>, vector<192x1xf32>, vector<192x1xf32>, vector<192x1xf32> -> vector<2304x1xf32>
    %get3A_480 = arith.constant 0 : index
    %get3A_481 = arith.constant 0 : index
    %get3A_482 = arith.constant 0 : index
    %get3A_483 = vector.load %arg10[%get3A_480, %get3A_481, %get3A_482] : memref<3x384x128xf32, #tpu.memory_space<vmem>>, vector<1x128x128xf32>
    %get3A_484 = vector.shape_cast %get3A_483 : vector<1x128x128xf32> to vector<128x128xf32>
    %get3A_485 = arith.constant 0 : index
    %get3A_486 = arith.constant 128 : index
    %get3A_487 = arith.constant 0 : index
    %get3A_488 = vector.load %arg10[%get3A_485, %get3A_486, %get3A_487] : memref<3x384x128xf32, #tpu.memory_space<vmem>>, vector<1x128x128xf32>
    %get3A_489 = vector.shape_cast %get3A_488 : vector<1x128x128xf32> to vector<128x128xf32>
    %get3A_490 = arith.constant 0 : index
    %get3A_491 = arith.constant 256 : index
    %get3A_492 = arith.constant 0 : index
    %get3A_493 = vector.load %arg10[%get3A_490, %get3A_491, %get3A_492] : memref<3x384x128xf32, #tpu.memory_space<vmem>>, vector<1x128x128xf32>
    %get3A_494 = vector.shape_cast %get3A_493 : vector<1x128x128xf32> to vector<128x128xf32>
    %get3A_495 = arith.constant 0 : index
    %get3A_496 = arith.constant 0 : index
    %get3A_497 = arith.constant 0 : index
    %get3A_498 = vector.load %arg11[%get3A_495, %get3A_496, %get3A_497] : memref<3x1x128xf32, #tpu.memory_space<vmem>>, vector<1x1x128xf32>
    %get3A_499 = vector.shape_cast %get3A_498 : vector<1x1x128xf32> to vector<1x128xf32>
    %get3A_500 = arith.constant 0 : index
    %get3A_501 = arith.constant 0 : index
    %get3A_502 = arith.constant 0 : index
    %get3A_503 = vector.load %arg12[%get3A_500, %get3A_501, %get3A_502] : memref<3x128x128xf32, #tpu.memory_space<vmem>>, vector<1x128x128xf32>
    %get3A_504 = vector.shape_cast %get3A_503 : vector<1x128x128xf32> to vector<128x128xf32>
    %get3A_505 = arith.constant 0 : index
    %get3A_506 = arith.constant 0 : index
    %get3A_507 = arith.constant 0 : index
    %get3A_508 = vector.load %arg13[%get3A_505, %get3A_506, %get3A_507] : memref<3x1x128xf32, #tpu.memory_space<vmem>>, vector<1x1x128xf32>
    %get3A_509 = vector.shape_cast %get3A_508 : vector<1x1x128xf32> to vector<1x128xf32>
    %dot_general3A_510 = arith.constant dense<0.000000e+00> : vector<192x128xf32>
    %dot_general3A_511 = tpu.matmul %dot_general3A_307, %get3A_489, %dot_general3A_510 {dimension_numbers = #tpu.dot_dimension_numbers<[1], [0], [0], [1], [0, 0, 1, 1], [], []>, transpose_lhs_hint = false} : vector<192x128xf32>, vector<128x128xf32>, vector<192x128xf32> -> vector<192x128xf32>
    %add3A_512 = vector.broadcast %get3A_499 : vector<1x128xf32> to vector<192x128xf32>
    %add3A_513 = arith.addf %dot_general3A_511, %add3A_512 : vector<192x128xf32>
    %concatenate3A_514 = tpu.concatenate %add3A_513, %add3A_513, %add3A_513, %add3A_513, %add3A_513, %add3A_513, %add3A_513, %add3A_513, %add3A_513, %add3A_513, %add3A_513, %add3A_513 in 0 : vector<192x128xf32>, vector<192x128xf32>, vector<192x128xf32>, vector<192x128xf32>, vector<192x128xf32>, vector<192x128xf32>, vector<192x128xf32>, vector<192x128xf32>, vector<192x128xf32>, vector<192x128xf32>, vector<192x128xf32>, vector<192x128xf32> -> vector<2304x128xf32>
    %dot_general3A_515 = arith.constant dense<0.000000e+00> : vector<2304x128xf32>
    %dot_general3A_516 = tpu.matmul %concatenate3A, %dot_general3A_307, %dot_general3A_515 {dimension_numbers = #tpu.dot_dimension_numbers<[1], [0], [0], [1], [0, 0, 1, 1], [], []>, transpose_lhs_hint = false} : vector<2304x192xf32>, vector<192x128xf32>, vector<2304x128xf32> -> vector<2304x128xf32>
    %dot_general3A_517 = arith.constant dense<0.000000e+00> : vector<2304x128xf32>
    %dot_general3A_518 = tpu.matmul %dot_general3A_516, %get3A_484, %dot_general3A_517 {dimension_numbers = #tpu.dot_dimension_numbers<[1], [0], [0], [1], [0, 0, 1, 1], [], []>, transpose_lhs_hint = false} : vector<2304x128xf32>, vector<128x128xf32>, vector<2304x128xf32> -> vector<2304x128xf32>
    %add3A_519 = arith.addf %dot_general3A_518, %concatenate3A_514 : vector<2304x128xf32>
    %dot_general3A_520 = arith.constant dense<0.000000e+00> : vector<2304x128xf32>
    %dot_general3A_521 = tpu.matmul %concatenate3A_478, %get3A_494, %dot_general3A_520 {dimension_numbers = #tpu.dot_dimension_numbers<[1], [0], [0], [1], [0, 0, 1, 1], [], []>, transpose_lhs_hint = false} : vector<2304x128xf32>, vector<128x128xf32>, vector<2304x128xf32> -> vector<2304x128xf32>
    %add3A_522 = arith.addf %add3A_519, %dot_general3A_521 : vector<2304x128xf32>
    %logistic3A = arith.negf %add3A_522 : vector<2304x128xf32>
    %logistic3A_523 = math.exp %logistic3A : vector<2304x128xf32>
    %logistic3A_524 = arith.constant 1.000000e+00 : f32
    %logistic3A_525 = vector.broadcast %logistic3A_524 : f32 to vector<2304x128xf32>
    %logistic3A_526 = arith.addf %logistic3A_525, %logistic3A_523 : vector<2304x128xf32>
    %logistic3A_527 = arith.divf %logistic3A_525, %logistic3A_526 : vector<2304x128xf32>
    %mul3A_528 = arith.mulf %add3A_522, %logistic3A_527 : vector<2304x128xf32>
    %dot_general3A_529 = arith.constant dense<0.000000e+00> : vector<2304x128xf32>
    %dot_general3A_530 = tpu.matmul %mul3A_528, %get3A_504, %dot_general3A_529 {dimension_numbers = #tpu.dot_dimension_numbers<[1], [0], [0], [1], [0, 0, 1, 1], [], []>, transpose_lhs_hint = false} : vector<2304x128xf32>, vector<128x128xf32>, vector<2304x128xf32> -> vector<2304x128xf32>
    %add3A_531 = vector.broadcast %get3A_509 : vector<1x128xf32> to vector<2304x128xf32>
    %add3A_532 = arith.addf %dot_general3A_530, %add3A_531 : vector<2304x128xf32>
    %mul3A_533 = vector.broadcast %concatenate3A_479 : vector<2304x1xf32> to vector<2304x128xf32>
    %mul3A_534 = arith.mulf %add3A_532, %mul3A_533 : vector<2304x128xf32>
    %broadcast_in_dim3A_535 = arith.constant 0.000000e+00 : f32
    %broadcast_in_dim3A_536 = vector.broadcast %broadcast_in_dim3A_535 : f32 to vector<192x128xf32>
    %slice3A_537 = vector.extract_strided_slice %mul3A_534 {offsets = [0, 0], sizes = [192, 128], strides = [1, 1]} : vector<2304x128xf32> to vector<192x128xf32>
    %add3A_538 = arith.addf %broadcast_in_dim3A_536, %slice3A_537 : vector<192x128xf32>
    %slice3A_539 = vector.extract_strided_slice %mul3A_534 {offsets = [192, 0], sizes = [192, 128], strides = [1, 1]} : vector<2304x128xf32> to vector<192x128xf32>
    %add3A_540 = arith.addf %add3A_538, %slice3A_539 : vector<192x128xf32>
    %slice3A_541 = vector.extract_strided_slice %mul3A_534 {offsets = [384, 0], sizes = [192, 128], strides = [1, 1]} : vector<2304x128xf32> to vector<192x128xf32>
    %add3A_542 = arith.addf %add3A_540, %slice3A_541 : vector<192x128xf32>
    %slice3A_543 = vector.extract_strided_slice %mul3A_534 {offsets = [576, 0], sizes = [192, 128], strides = [1, 1]} : vector<2304x128xf32> to vector<192x128xf32>
    %add3A_544 = arith.addf %add3A_542, %slice3A_543 : vector<192x128xf32>
    %slice3A_545 = vector.extract_strided_slice %mul3A_534 {offsets = [768, 0], sizes = [192, 128], strides = [1, 1]} : vector<2304x128xf32> to vector<192x128xf32>
    %add3A_546 = arith.addf %add3A_544, %slice3A_545 : vector<192x128xf32>
    %slice3A_547 = vector.extract_strided_slice %mul3A_534 {offsets = [960, 0], sizes = [192, 128], strides = [1, 1]} : vector<2304x128xf32> to vector<192x128xf32>
    %add3A_548 = arith.addf %add3A_546, %slice3A_547 : vector<192x128xf32>
    %slice3A_549 = vector.extract_strided_slice %mul3A_534 {offsets = [1152, 0], sizes = [192, 128], strides = [1, 1]} : vector<2304x128xf32> to vector<192x128xf32>
    %add3A_550 = arith.addf %add3A_548, %slice3A_549 : vector<192x128xf32>
    %slice3A_551 = vector.extract_strided_slice %mul3A_534 {offsets = [1344, 0], sizes = [192, 128], strides = [1, 1]} : vector<2304x128xf32> to vector<192x128xf32>
    %add3A_552 = arith.addf %add3A_550, %slice3A_551 : vector<192x128xf32>
    %slice3A_553 = vector.extract_strided_slice %mul3A_534 {offsets = [1536, 0], sizes = [192, 128], strides = [1, 1]} : vector<2304x128xf32> to vector<192x128xf32>
    %add3A_554 = arith.addf %add3A_552, %slice3A_553 : vector<192x128xf32>
    %slice3A_555 = vector.extract_strided_slice %mul3A_534 {offsets = [1728, 0], sizes = [192, 128], strides = [1, 1]} : vector<2304x128xf32> to vector<192x128xf32>
    %add3A_556 = arith.addf %add3A_554, %slice3A_555 : vector<192x128xf32>
    %slice3A_557 = vector.extract_strided_slice %mul3A_534 {offsets = [1920, 0], sizes = [192, 128], strides = [1, 1]} : vector<2304x128xf32> to vector<192x128xf32>
    %add3A_558 = arith.addf %add3A_556, %slice3A_557 : vector<192x128xf32>
    %slice3A_559 = vector.extract_strided_slice %mul3A_534 {offsets = [2112, 0], sizes = [192, 128], strides = [1, 1]} : vector<2304x128xf32> to vector<192x128xf32>
    %add3A_560 = arith.addf %add3A_558, %slice3A_559 : vector<192x128xf32>
    %get3A_561 = arith.constant 0 : index
    %get3A_562 = arith.constant 0 : index
    %get3A_563 = arith.constant 0 : index
    %get3A_564 = vector.load %arg14[%get3A_561, %get3A_562, %get3A_563] : memref<3x128x128xf32, #tpu.memory_space<vmem>>, vector<1x128x128xf32>
    %get3A_565 = vector.shape_cast %get3A_564 : vector<1x128x128xf32> to vector<128x128xf32>
    %dot_general3A_566 = arith.constant dense<0.000000e+00> : vector<192x128xf32>
    %dot_general3A_567 = tpu.matmul %add3A_560, %get3A_565, %dot_general3A_566 {dimension_numbers = #tpu.dot_dimension_numbers<[1], [0], [0], [1], [0, 0, 1, 1], [], []>, transpose_lhs_hint = false} : vector<192x128xf32>, vector<128x128xf32>, vector<192x128xf32> -> vector<192x128xf32>
    %get3A_568 = arith.constant 0 : index
    %get3A_569 = arith.constant 0 : index
    %get3A_570 = arith.constant 0 : index
    %get3A_571 = vector.load %arg15[%get3A_568, %get3A_569, %get3A_570] : memref<3x1x128xf32, #tpu.memory_space<vmem>>, vector<1x1x128xf32>
    %get3A_572 = vector.shape_cast %get3A_571 : vector<1x1x128xf32> to vector<1x128xf32>
    %add3A_573 = vector.broadcast %get3A_572 : vector<1x128xf32> to vector<192x128xf32>
    %add3A_574 = arith.addf %dot_general3A_567, %add3A_573 : vector<192x128xf32>
    %logistic3A_575 = arith.negf %add3A_574 : vector<192x128xf32>
    %logistic3A_576 = math.exp %logistic3A_575 : vector<192x128xf32>
    %logistic3A_577 = arith.constant 1.000000e+00 : f32
    %logistic3A_578 = vector.broadcast %logistic3A_577 : f32 to vector<192x128xf32>
    %logistic3A_579 = arith.addf %logistic3A_578, %logistic3A_576 : vector<192x128xf32>
    %logistic3A_580 = arith.divf %logistic3A_578, %logistic3A_579 : vector<192x128xf32>
    %mul3A_581 = arith.mulf %add3A_574, %logistic3A_580 : vector<192x128xf32>
    %get3A_582 = arith.constant 0 : index
    %get3A_583 = arith.constant 0 : index
    %get3A_584 = arith.constant 0 : index
    %get3A_585 = vector.load %arg16[%get3A_582, %get3A_583, %get3A_584] : memref<3x128x128xf32, #tpu.memory_space<vmem>>, vector<1x128x128xf32>
    %get3A_586 = vector.shape_cast %get3A_585 : vector<1x128x128xf32> to vector<128x128xf32>
    %dot_general3A_587 = arith.constant dense<0.000000e+00> : vector<192x128xf32>
    %dot_general3A_588 = tpu.matmul %mul3A_581, %get3A_586, %dot_general3A_587 {dimension_numbers = #tpu.dot_dimension_numbers<[1], [0], [0], [1], [0, 0, 1, 1], [], []>, transpose_lhs_hint = false} : vector<192x128xf32>, vector<128x128xf32>, vector<192x128xf32> -> vector<192x128xf32>
    %get3A_589 = arith.constant 0 : index
    %get3A_590 = arith.constant 0 : index
    %get3A_591 = arith.constant 0 : index
    %get3A_592 = vector.load %arg17[%get3A_589, %get3A_590, %get3A_591] : memref<3x1x128xf32, #tpu.memory_space<vmem>>, vector<1x1x128xf32>
    %get3A_593 = vector.shape_cast %get3A_592 : vector<1x1x128xf32> to vector<1x128xf32>
    %add3A_594 = vector.broadcast %get3A_593 : vector<1x128xf32> to vector<192x128xf32>
    %add3A_595 = arith.addf %dot_general3A_588, %add3A_594 : vector<192x128xf32>
    %add3A_596 = arith.addf %dot_general3A_307, %add3A_595 : vector<192x128xf32>
    %reduce_sum3A = arith.constant dense<0.000000e+00> : vector<192xf32>
    %reduce_sum3A_597 = vector.multi_reduction <add>, %add3A_596, %reduce_sum3A [1] : vector<192x128xf32> to vector<192xf32>
    %broadcast_in_dim3A_598 = vector.shape_cast %reduce_sum3A_597 : vector<192xf32> to vector<192x1xf32>
    %div3A = arith.constant 1.280000e+02 : f32
    %div3A_599 = vector.broadcast %div3A : f32 to vector<192x1xf32>
    %div3A_600 = arith.divf %broadcast_in_dim3A_598, %div3A_599 : vector<192x1xf32>
    %sub3A_601 = vector.broadcast %div3A_600 : vector<192x1xf32> to vector<192x128xf32>
    %sub3A_602 = arith.subf %add3A_596, %sub3A_601 : vector<192x128xf32>
    %mul3A_603 = arith.mulf %sub3A_602, %sub3A_602 : vector<192x128xf32>
    %reduce_sum3A_604 = arith.constant dense<0.000000e+00> : vector<192xf32>
    %reduce_sum3A_605 = vector.multi_reduction <add>, %mul3A_603, %reduce_sum3A_604 [1] : vector<192x128xf32> to vector<192xf32>
    %broadcast_in_dim3A_606 = vector.shape_cast %reduce_sum3A_605 : vector<192xf32> to vector<192x1xf32>
    %div3A_607 = arith.constant 1.280000e+02 : f32
    %div3A_608 = vector.broadcast %div3A_607 : f32 to vector<192x1xf32>
    %div3A_609 = arith.divf %broadcast_in_dim3A_606, %div3A_608 : vector<192x1xf32>
    %add3A_610 = arith.constant 9.99999974E-6 : f32
    %add3A_611 = vector.broadcast %add3A_610 : f32 to vector<192x1xf32>
    %add3A_612 = arith.addf %div3A_609, %add3A_611 : vector<192x1xf32>
    %sqrt3A_613 = math.sqrt %add3A_612 : vector<192x1xf32>
    %div3A_614 = vector.broadcast %sqrt3A_613 : vector<192x1xf32> to vector<192x128xf32>
    %div3A_615 = arith.divf %sub3A_602, %div3A_614 : vector<192x128xf32>
    %get3A_616 = arith.constant 0 : index
    %get3A_617 = arith.constant 0 : index
    %get3A_618 = arith.constant 0 : index
    %get3A_619 = vector.load %arg18[%get3A_616, %get3A_617, %get3A_618] : memref<3x1x128xf32, #tpu.memory_space<vmem>>, vector<1x1x128xf32>
    %get3A_620 = vector.shape_cast %get3A_619 : vector<1x1x128xf32> to vector<1x128xf32>
    %mul3A_621 = vector.broadcast %get3A_620 : vector<1x128xf32> to vector<192x128xf32>
    %mul3A_622 = arith.mulf %div3A_615, %mul3A_621 : vector<192x128xf32>
    %get3A_623 = arith.constant 0 : index
    %get3A_624 = arith.constant 0 : index
    %get3A_625 = arith.constant 0 : index
    %get3A_626 = vector.load %arg19[%get3A_623, %get3A_624, %get3A_625] : memref<3x1x128xf32, #tpu.memory_space<vmem>>, vector<1x1x128xf32>
    %get3A_627 = vector.shape_cast %get3A_626 : vector<1x1x128xf32> to vector<1x128xf32>
    %add3A_628 = vector.broadcast %get3A_627 : vector<1x128xf32> to vector<192x128xf32>
    %add3A_629 = arith.addf %mul3A_622, %add3A_628 : vector<192x128xf32>
    %get3A_630 = arith.constant 1 : index
    %get3A_631 = arith.constant 0 : index
    %get3A_632 = arith.constant 0 : index
    %get3A_633 = vector.load %arg10[%get3A_630, %get3A_631, %get3A_632] : memref<3x384x128xf32, #tpu.memory_space<vmem>>, vector<1x128x128xf32>
    %get3A_634 = vector.shape_cast %get3A_633 : vector<1x128x128xf32> to vector<128x128xf32>
    %get3A_635 = arith.constant 1 : index
    %get3A_636 = arith.constant 128 : index
    %get3A_637 = arith.constant 0 : index
    %get3A_638 = vector.load %arg10[%get3A_635, %get3A_636, %get3A_637] : memref<3x384x128xf32, #tpu.memory_space<vmem>>, vector<1x128x128xf32>
    %get3A_639 = vector.shape_cast %get3A_638 : vector<1x128x128xf32> to vector<128x128xf32>
    %get3A_640 = arith.constant 1 : index
    %get3A_641 = arith.constant 256 : index
    %get3A_642 = arith.constant 0 : index
    %get3A_643 = vector.load %arg10[%get3A_640, %get3A_641, %get3A_642] : memref<3x384x128xf32, #tpu.memory_space<vmem>>, vector<1x128x128xf32>
    %get3A_644 = vector.shape_cast %get3A_643 : vector<1x128x128xf32> to vector<128x128xf32>
    %get3A_645 = arith.constant 1 : index
    %get3A_646 = arith.constant 0 : index
    %get3A_647 = arith.constant 0 : index
    %get3A_648 = vector.load %arg11[%get3A_645, %get3A_646, %get3A_647] : memref<3x1x128xf32, #tpu.memory_space<vmem>>, vector<1x1x128xf32>
    %get3A_649 = vector.shape_cast %get3A_648 : vector<1x1x128xf32> to vector<1x128xf32>
    %get3A_650 = arith.constant 1 : index
    %get3A_651 = arith.constant 0 : index
    %get3A_652 = arith.constant 0 : index
    %get3A_653 = vector.load %arg12[%get3A_650, %get3A_651, %get3A_652] : memref<3x128x128xf32, #tpu.memory_space<vmem>>, vector<1x128x128xf32>
    %get3A_654 = vector.shape_cast %get3A_653 : vector<1x128x128xf32> to vector<128x128xf32>
    %get3A_655 = arith.constant 1 : index
    %get3A_656 = arith.constant 0 : index
    %get3A_657 = arith.constant 0 : index
    %get3A_658 = vector.load %arg13[%get3A_655, %get3A_656, %get3A_657] : memref<3x1x128xf32, #tpu.memory_space<vmem>>, vector<1x1x128xf32>
    %get3A_659 = vector.shape_cast %get3A_658 : vector<1x1x128xf32> to vector<1x128xf32>
    %dot_general3A_660 = arith.constant dense<0.000000e+00> : vector<192x128xf32>
    %dot_general3A_661 = tpu.matmul %add3A_629, %get3A_639, %dot_general3A_660 {dimension_numbers = #tpu.dot_dimension_numbers<[1], [0], [0], [1], [0, 0, 1, 1], [], []>, transpose_lhs_hint = false} : vector<192x128xf32>, vector<128x128xf32>, vector<192x128xf32> -> vector<192x128xf32>
    %add3A_662 = vector.broadcast %get3A_649 : vector<1x128xf32> to vector<192x128xf32>
    %add3A_663 = arith.addf %dot_general3A_661, %add3A_662 : vector<192x128xf32>
    %concatenate3A_664 = tpu.concatenate %add3A_663, %add3A_663, %add3A_663, %add3A_663, %add3A_663, %add3A_663, %add3A_663, %add3A_663, %add3A_663, %add3A_663, %add3A_663, %add3A_663 in 0 : vector<192x128xf32>, vector<192x128xf32>, vector<192x128xf32>, vector<192x128xf32>, vector<192x128xf32>, vector<192x128xf32>, vector<192x128xf32>, vector<192x128xf32>, vector<192x128xf32>, vector<192x128xf32>, vector<192x128xf32>, vector<192x128xf32> -> vector<2304x128xf32>
    %dot_general3A_665 = arith.constant dense<0.000000e+00> : vector<2304x128xf32>
    %dot_general3A_666 = tpu.matmul %concatenate3A, %add3A_629, %dot_general3A_665 {dimension_numbers = #tpu.dot_dimension_numbers<[1], [0], [0], [1], [0, 0, 1, 1], [], []>, transpose_lhs_hint = false} : vector<2304x192xf32>, vector<192x128xf32>, vector<2304x128xf32> -> vector<2304x128xf32>
    %dot_general3A_667 = arith.constant dense<0.000000e+00> : vector<2304x128xf32>
    %dot_general3A_668 = tpu.matmul %dot_general3A_666, %get3A_634, %dot_general3A_667 {dimension_numbers = #tpu.dot_dimension_numbers<[1], [0], [0], [1], [0, 0, 1, 1], [], []>, transpose_lhs_hint = false} : vector<2304x128xf32>, vector<128x128xf32>, vector<2304x128xf32> -> vector<2304x128xf32>
    %add3A_669 = arith.addf %dot_general3A_668, %concatenate3A_664 : vector<2304x128xf32>
    %dot_general3A_670 = arith.constant dense<0.000000e+00> : vector<2304x128xf32>
    %dot_general3A_671 = tpu.matmul %concatenate3A_478, %get3A_644, %dot_general3A_670 {dimension_numbers = #tpu.dot_dimension_numbers<[1], [0], [0], [1], [0, 0, 1, 1], [], []>, transpose_lhs_hint = false} : vector<2304x128xf32>, vector<128x128xf32>, vector<2304x128xf32> -> vector<2304x128xf32>
    %add3A_672 = arith.addf %add3A_669, %dot_general3A_671 : vector<2304x128xf32>
    %logistic3A_673 = arith.negf %add3A_672 : vector<2304x128xf32>
    %logistic3A_674 = math.exp %logistic3A_673 : vector<2304x128xf32>
    %logistic3A_675 = arith.constant 1.000000e+00 : f32
    %logistic3A_676 = vector.broadcast %logistic3A_675 : f32 to vector<2304x128xf32>
    %logistic3A_677 = arith.addf %logistic3A_676, %logistic3A_674 : vector<2304x128xf32>
    %logistic3A_678 = arith.divf %logistic3A_676, %logistic3A_677 : vector<2304x128xf32>
    %mul3A_679 = arith.mulf %add3A_672, %logistic3A_678 : vector<2304x128xf32>
    %dot_general3A_680 = arith.constant dense<0.000000e+00> : vector<2304x128xf32>
    %dot_general3A_681 = tpu.matmul %mul3A_679, %get3A_654, %dot_general3A_680 {dimension_numbers = #tpu.dot_dimension_numbers<[1], [0], [0], [1], [0, 0, 1, 1], [], []>, transpose_lhs_hint = false} : vector<2304x128xf32>, vector<128x128xf32>, vector<2304x128xf32> -> vector<2304x128xf32>
    %add3A_682 = vector.broadcast %get3A_659 : vector<1x128xf32> to vector<2304x128xf32>
    %add3A_683 = arith.addf %dot_general3A_681, %add3A_682 : vector<2304x128xf32>
    %mul3A_684 = vector.broadcast %concatenate3A_479 : vector<2304x1xf32> to vector<2304x128xf32>
    %mul3A_685 = arith.mulf %add3A_683, %mul3A_684 : vector<2304x128xf32>
    %broadcast_in_dim3A_686 = arith.constant 0.000000e+00 : f32
    %broadcast_in_dim3A_687 = vector.broadcast %broadcast_in_dim3A_686 : f32 to vector<192x128xf32>
    %slice3A_688 = vector.extract_strided_slice %mul3A_685 {offsets = [0, 0], sizes = [192, 128], strides = [1, 1]} : vector<2304x128xf32> to vector<192x128xf32>
    %add3A_689 = arith.addf %broadcast_in_dim3A_687, %slice3A_688 : vector<192x128xf32>
    %slice3A_690 = vector.extract_strided_slice %mul3A_685 {offsets = [192, 0], sizes = [192, 128], strides = [1, 1]} : vector<2304x128xf32> to vector<192x128xf32>
    %add3A_691 = arith.addf %add3A_689, %slice3A_690 : vector<192x128xf32>
    %slice3A_692 = vector.extract_strided_slice %mul3A_685 {offsets = [384, 0], sizes = [192, 128], strides = [1, 1]} : vector<2304x128xf32> to vector<192x128xf32>
    %add3A_693 = arith.addf %add3A_691, %slice3A_692 : vector<192x128xf32>
    %slice3A_694 = vector.extract_strided_slice %mul3A_685 {offsets = [576, 0], sizes = [192, 128], strides = [1, 1]} : vector<2304x128xf32> to vector<192x128xf32>
    %add3A_695 = arith.addf %add3A_693, %slice3A_694 : vector<192x128xf32>
    %slice3A_696 = vector.extract_strided_slice %mul3A_685 {offsets = [768, 0], sizes = [192, 128], strides = [1, 1]} : vector<2304x128xf32> to vector<192x128xf32>
    %add3A_697 = arith.addf %add3A_695, %slice3A_696 : vector<192x128xf32>
    %slice3A_698 = vector.extract_strided_slice %mul3A_685 {offsets = [960, 0], sizes = [192, 128], strides = [1, 1]} : vector<2304x128xf32> to vector<192x128xf32>
    %add3A_699 = arith.addf %add3A_697, %slice3A_698 : vector<192x128xf32>
    %slice3A_700 = vector.extract_strided_slice %mul3A_685 {offsets = [1152, 0], sizes = [192, 128], strides = [1, 1]} : vector<2304x128xf32> to vector<192x128xf32>
    %add3A_701 = arith.addf %add3A_699, %slice3A_700 : vector<192x128xf32>
    %slice3A_702 = vector.extract_strided_slice %mul3A_685 {offsets = [1344, 0], sizes = [192, 128], strides = [1, 1]} : vector<2304x128xf32> to vector<192x128xf32>
    %add3A_703 = arith.addf %add3A_701, %slice3A_702 : vector<192x128xf32>
    %slice3A_704 = vector.extract_strided_slice %mul3A_685 {offsets = [1536, 0], sizes = [192, 128], strides = [1, 1]} : vector<2304x128xf32> to vector<192x128xf32>
    %add3A_705 = arith.addf %add3A_703, %slice3A_704 : vector<192x128xf32>
    %slice3A_706 = vector.extract_strided_slice %mul3A_685 {offsets = [1728, 0], sizes = [192, 128], strides = [1, 1]} : vector<2304x128xf32> to vector<192x128xf32>
    %add3A_707 = arith.addf %add3A_705, %slice3A_706 : vector<192x128xf32>
    %slice3A_708 = vector.extract_strided_slice %mul3A_685 {offsets = [1920, 0], sizes = [192, 128], strides = [1, 1]} : vector<2304x128xf32> to vector<192x128xf32>
    %add3A_709 = arith.addf %add3A_707, %slice3A_708 : vector<192x128xf32>
    %slice3A_710 = vector.extract_strided_slice %mul3A_685 {offsets = [2112, 0], sizes = [192, 128], strides = [1, 1]} : vector<2304x128xf32> to vector<192x128xf32>
    %add3A_711 = arith.addf %add3A_709, %slice3A_710 : vector<192x128xf32>
    %get3A_712 = arith.constant 1 : index
    %get3A_713 = arith.constant 0 : index
    %get3A_714 = arith.constant 0 : index
    %get3A_715 = vector.load %arg14[%get3A_712, %get3A_713, %get3A_714] : memref<3x128x128xf32, #tpu.memory_space<vmem>>, vector<1x128x128xf32>
    %get3A_716 = vector.shape_cast %get3A_715 : vector<1x128x128xf32> to vector<128x128xf32>
    %dot_general3A_717 = arith.constant dense<0.000000e+00> : vector<192x128xf32>
    %dot_general3A_718 = tpu.matmul %add3A_711, %get3A_716, %dot_general3A_717 {dimension_numbers = #tpu.dot_dimension_numbers<[1], [0], [0], [1], [0, 0, 1, 1], [], []>, transpose_lhs_hint = false} : vector<192x128xf32>, vector<128x128xf32>, vector<192x128xf32> -> vector<192x128xf32>
    %get3A_719 = arith.constant 1 : index
    %get3A_720 = arith.constant 0 : index
    %get3A_721 = arith.constant 0 : index
    %get3A_722 = vector.load %arg15[%get3A_719, %get3A_720, %get3A_721] : memref<3x1x128xf32, #tpu.memory_space<vmem>>, vector<1x1x128xf32>
    %get3A_723 = vector.shape_cast %get3A_722 : vector<1x1x128xf32> to vector<1x128xf32>
    %add3A_724 = vector.broadcast %get3A_723 : vector<1x128xf32> to vector<192x128xf32>
    %add3A_725 = arith.addf %dot_general3A_718, %add3A_724 : vector<192x128xf32>
    %logistic3A_726 = arith.negf %add3A_725 : vector<192x128xf32>
    %logistic3A_727 = math.exp %logistic3A_726 : vector<192x128xf32>
    %logistic3A_728 = arith.constant 1.000000e+00 : f32
    %logistic3A_729 = vector.broadcast %logistic3A_728 : f32 to vector<192x128xf32>
    %logistic3A_730 = arith.addf %logistic3A_729, %logistic3A_727 : vector<192x128xf32>
    %logistic3A_731 = arith.divf %logistic3A_729, %logistic3A_730 : vector<192x128xf32>
    %mul3A_732 = arith.mulf %add3A_725, %logistic3A_731 : vector<192x128xf32>
    %get3A_733 = arith.constant 1 : index
    %get3A_734 = arith.constant 0 : index
    %get3A_735 = arith.constant 0 : index
    %get3A_736 = vector.load %arg16[%get3A_733, %get3A_734, %get3A_735] : memref<3x128x128xf32, #tpu.memory_space<vmem>>, vector<1x128x128xf32>
    %get3A_737 = vector.shape_cast %get3A_736 : vector<1x128x128xf32> to vector<128x128xf32>
    %dot_general3A_738 = arith.constant dense<0.000000e+00> : vector<192x128xf32>
    %dot_general3A_739 = tpu.matmul %mul3A_732, %get3A_737, %dot_general3A_738 {dimension_numbers = #tpu.dot_dimension_numbers<[1], [0], [0], [1], [0, 0, 1, 1], [], []>, transpose_lhs_hint = false} : vector<192x128xf32>, vector<128x128xf32>, vector<192x128xf32> -> vector<192x128xf32>
    %get3A_740 = arith.constant 1 : index
    %get3A_741 = arith.constant 0 : index
    %get3A_742 = arith.constant 0 : index
    %get3A_743 = vector.load %arg17[%get3A_740, %get3A_741, %get3A_742] : memref<3x1x128xf32, #tpu.memory_space<vmem>>, vector<1x1x128xf32>
    %get3A_744 = vector.shape_cast %get3A_743 : vector<1x1x128xf32> to vector<1x128xf32>
    %add3A_745 = vector.broadcast %get3A_744 : vector<1x128xf32> to vector<192x128xf32>
    %add3A_746 = arith.addf %dot_general3A_739, %add3A_745 : vector<192x128xf32>
    %add3A_747 = arith.addf %add3A_629, %add3A_746 : vector<192x128xf32>
    %reduce_sum3A_748 = arith.constant dense<0.000000e+00> : vector<192xf32>
    %reduce_sum3A_749 = vector.multi_reduction <add>, %add3A_747, %reduce_sum3A_748 [1] : vector<192x128xf32> to vector<192xf32>
    %broadcast_in_dim3A_750 = vector.shape_cast %reduce_sum3A_749 : vector<192xf32> to vector<192x1xf32>
    %div3A_751 = arith.constant 1.280000e+02 : f32
    %div3A_752 = vector.broadcast %div3A_751 : f32 to vector<192x1xf32>
    %div3A_753 = arith.divf %broadcast_in_dim3A_750, %div3A_752 : vector<192x1xf32>
    %sub3A_754 = vector.broadcast %div3A_753 : vector<192x1xf32> to vector<192x128xf32>
    %sub3A_755 = arith.subf %add3A_747, %sub3A_754 : vector<192x128xf32>
    %mul3A_756 = arith.mulf %sub3A_755, %sub3A_755 : vector<192x128xf32>
    %reduce_sum3A_757 = arith.constant dense<0.000000e+00> : vector<192xf32>
    %reduce_sum3A_758 = vector.multi_reduction <add>, %mul3A_756, %reduce_sum3A_757 [1] : vector<192x128xf32> to vector<192xf32>
    %broadcast_in_dim3A_759 = vector.shape_cast %reduce_sum3A_758 : vector<192xf32> to vector<192x1xf32>
    %div3A_760 = arith.constant 1.280000e+02 : f32
    %div3A_761 = vector.broadcast %div3A_760 : f32 to vector<192x1xf32>
    %div3A_762 = arith.divf %broadcast_in_dim3A_759, %div3A_761 : vector<192x1xf32>
    %add3A_763 = arith.constant 9.99999974E-6 : f32
    %add3A_764 = vector.broadcast %add3A_763 : f32 to vector<192x1xf32>
    %add3A_765 = arith.addf %div3A_762, %add3A_764 : vector<192x1xf32>
    %sqrt3A_766 = math.sqrt %add3A_765 : vector<192x1xf32>
    %div3A_767 = vector.broadcast %sqrt3A_766 : vector<192x1xf32> to vector<192x128xf32>
    %div3A_768 = arith.divf %sub3A_755, %div3A_767 : vector<192x128xf32>
    %get3A_769 = arith.constant 1 : index
    %get3A_770 = arith.constant 0 : index
    %get3A_771 = arith.constant 0 : index
    %get3A_772 = vector.load %arg18[%get3A_769, %get3A_770, %get3A_771] : memref<3x1x128xf32, #tpu.memory_space<vmem>>, vector<1x1x128xf32>
    %get3A_773 = vector.shape_cast %get3A_772 : vector<1x1x128xf32> to vector<1x128xf32>
    %mul3A_774 = vector.broadcast %get3A_773 : vector<1x128xf32> to vector<192x128xf32>
    %mul3A_775 = arith.mulf %div3A_768, %mul3A_774 : vector<192x128xf32>
    %get3A_776 = arith.constant 1 : index
    %get3A_777 = arith.constant 0 : index
    %get3A_778 = arith.constant 0 : index
    %get3A_779 = vector.load %arg19[%get3A_776, %get3A_777, %get3A_778] : memref<3x1x128xf32, #tpu.memory_space<vmem>>, vector<1x1x128xf32>
    %get3A_780 = vector.shape_cast %get3A_779 : vector<1x1x128xf32> to vector<1x128xf32>
    %add3A_781 = vector.broadcast %get3A_780 : vector<1x128xf32> to vector<192x128xf32>
    %add3A_782 = arith.addf %mul3A_775, %add3A_781 : vector<192x128xf32>
    %get3A_783 = arith.constant 2 : index
    %get3A_784 = arith.constant 0 : index
    %get3A_785 = arith.constant 0 : index
    %get3A_786 = vector.load %arg10[%get3A_783, %get3A_784, %get3A_785] : memref<3x384x128xf32, #tpu.memory_space<vmem>>, vector<1x128x128xf32>
    %get3A_787 = vector.shape_cast %get3A_786 : vector<1x128x128xf32> to vector<128x128xf32>
    %get3A_788 = arith.constant 2 : index
    %get3A_789 = arith.constant 128 : index
    %get3A_790 = arith.constant 0 : index
    %get3A_791 = vector.load %arg10[%get3A_788, %get3A_789, %get3A_790] : memref<3x384x128xf32, #tpu.memory_space<vmem>>, vector<1x128x128xf32>
    %get3A_792 = vector.shape_cast %get3A_791 : vector<1x128x128xf32> to vector<128x128xf32>
    %get3A_793 = arith.constant 2 : index
    %get3A_794 = arith.constant 256 : index
    %get3A_795 = arith.constant 0 : index
    %get3A_796 = vector.load %arg10[%get3A_793, %get3A_794, %get3A_795] : memref<3x384x128xf32, #tpu.memory_space<vmem>>, vector<1x128x128xf32>
    %get3A_797 = vector.shape_cast %get3A_796 : vector<1x128x128xf32> to vector<128x128xf32>
    %get3A_798 = arith.constant 2 : index
    %get3A_799 = arith.constant 0 : index
    %get3A_800 = arith.constant 0 : index
    %get3A_801 = vector.load %arg11[%get3A_798, %get3A_799, %get3A_800] : memref<3x1x128xf32, #tpu.memory_space<vmem>>, vector<1x1x128xf32>
    %get3A_802 = vector.shape_cast %get3A_801 : vector<1x1x128xf32> to vector<1x128xf32>
    %get3A_803 = arith.constant 2 : index
    %get3A_804 = arith.constant 0 : index
    %get3A_805 = arith.constant 0 : index
    %get3A_806 = vector.load %arg12[%get3A_803, %get3A_804, %get3A_805] : memref<3x128x128xf32, #tpu.memory_space<vmem>>, vector<1x128x128xf32>
    %get3A_807 = vector.shape_cast %get3A_806 : vector<1x128x128xf32> to vector<128x128xf32>
    %get3A_808 = arith.constant 2 : index
    %get3A_809 = arith.constant 0 : index
    %get3A_810 = arith.constant 0 : index
    %get3A_811 = vector.load %arg13[%get3A_808, %get3A_809, %get3A_810] : memref<3x1x128xf32, #tpu.memory_space<vmem>>, vector<1x1x128xf32>
    %get3A_812 = vector.shape_cast %get3A_811 : vector<1x1x128xf32> to vector<1x128xf32>
    %dot_general3A_813 = arith.constant dense<0.000000e+00> : vector<192x128xf32>
    %dot_general3A_814 = tpu.matmul %add3A_782, %get3A_792, %dot_general3A_813 {dimension_numbers = #tpu.dot_dimension_numbers<[1], [0], [0], [1], [0, 0, 1, 1], [], []>, transpose_lhs_hint = false} : vector<192x128xf32>, vector<128x128xf32>, vector<192x128xf32> -> vector<192x128xf32>
    %add3A_815 = vector.broadcast %get3A_802 : vector<1x128xf32> to vector<192x128xf32>
    %add3A_816 = arith.addf %dot_general3A_814, %add3A_815 : vector<192x128xf32>
    %concatenate3A_817 = tpu.concatenate %add3A_816, %add3A_816, %add3A_816, %add3A_816, %add3A_816, %add3A_816, %add3A_816, %add3A_816, %add3A_816, %add3A_816, %add3A_816, %add3A_816 in 0 : vector<192x128xf32>, vector<192x128xf32>, vector<192x128xf32>, vector<192x128xf32>, vector<192x128xf32>, vector<192x128xf32>, vector<192x128xf32>, vector<192x128xf32>, vector<192x128xf32>, vector<192x128xf32>, vector<192x128xf32>, vector<192x128xf32> -> vector<2304x128xf32>
    %dot_general3A_818 = arith.constant dense<0.000000e+00> : vector<2304x128xf32>
    %dot_general3A_819 = tpu.matmul %concatenate3A, %add3A_782, %dot_general3A_818 {dimension_numbers = #tpu.dot_dimension_numbers<[1], [0], [0], [1], [0, 0, 1, 1], [], []>, transpose_lhs_hint = false} : vector<2304x192xf32>, vector<192x128xf32>, vector<2304x128xf32> -> vector<2304x128xf32>
    %dot_general3A_820 = arith.constant dense<0.000000e+00> : vector<2304x128xf32>
    %dot_general3A_821 = tpu.matmul %dot_general3A_819, %get3A_787, %dot_general3A_820 {dimension_numbers = #tpu.dot_dimension_numbers<[1], [0], [0], [1], [0, 0, 1, 1], [], []>, transpose_lhs_hint = false} : vector<2304x128xf32>, vector<128x128xf32>, vector<2304x128xf32> -> vector<2304x128xf32>
    %add3A_822 = arith.addf %dot_general3A_821, %concatenate3A_817 : vector<2304x128xf32>
    %dot_general3A_823 = arith.constant dense<0.000000e+00> : vector<2304x128xf32>
    %dot_general3A_824 = tpu.matmul %concatenate3A_478, %get3A_797, %dot_general3A_823 {dimension_numbers = #tpu.dot_dimension_numbers<[1], [0], [0], [1], [0, 0, 1, 1], [], []>, transpose_lhs_hint = false} : vector<2304x128xf32>, vector<128x128xf32>, vector<2304x128xf32> -> vector<2304x128xf32>
    %add3A_825 = arith.addf %add3A_822, %dot_general3A_824 : vector<2304x128xf32>
    %logistic3A_826 = arith.negf %add3A_825 : vector<2304x128xf32>
    %logistic3A_827 = math.exp %logistic3A_826 : vector<2304x128xf32>
    %logistic3A_828 = arith.constant 1.000000e+00 : f32
    %logistic3A_829 = vector.broadcast %logistic3A_828 : f32 to vector<2304x128xf32>
    %logistic3A_830 = arith.addf %logistic3A_829, %logistic3A_827 : vector<2304x128xf32>
    %logistic3A_831 = arith.divf %logistic3A_829, %logistic3A_830 : vector<2304x128xf32>
    %mul3A_832 = arith.mulf %add3A_825, %logistic3A_831 : vector<2304x128xf32>
    %dot_general3A_833 = arith.constant dense<0.000000e+00> : vector<2304x128xf32>
    %dot_general3A_834 = tpu.matmul %mul3A_832, %get3A_807, %dot_general3A_833 {dimension_numbers = #tpu.dot_dimension_numbers<[1], [0], [0], [1], [0, 0, 1, 1], [], []>, transpose_lhs_hint = false} : vector<2304x128xf32>, vector<128x128xf32>, vector<2304x128xf32> -> vector<2304x128xf32>
    %add3A_835 = vector.broadcast %get3A_812 : vector<1x128xf32> to vector<2304x128xf32>
    %add3A_836 = arith.addf %dot_general3A_834, %add3A_835 : vector<2304x128xf32>
    %mul3A_837 = vector.broadcast %concatenate3A_479 : vector<2304x1xf32> to vector<2304x128xf32>
    %mul3A_838 = arith.mulf %add3A_836, %mul3A_837 : vector<2304x128xf32>
    %broadcast_in_dim3A_839 = arith.constant 0.000000e+00 : f32
    %broadcast_in_dim3A_840 = vector.broadcast %broadcast_in_dim3A_839 : f32 to vector<192x128xf32>
    %slice3A_841 = vector.extract_strided_slice %mul3A_838 {offsets = [0, 0], sizes = [192, 128], strides = [1, 1]} : vector<2304x128xf32> to vector<192x128xf32>
    %add3A_842 = arith.addf %broadcast_in_dim3A_840, %slice3A_841 : vector<192x128xf32>
    %slice3A_843 = vector.extract_strided_slice %mul3A_838 {offsets = [192, 0], sizes = [192, 128], strides = [1, 1]} : vector<2304x128xf32> to vector<192x128xf32>
    %add3A_844 = arith.addf %add3A_842, %slice3A_843 : vector<192x128xf32>
    %slice3A_845 = vector.extract_strided_slice %mul3A_838 {offsets = [384, 0], sizes = [192, 128], strides = [1, 1]} : vector<2304x128xf32> to vector<192x128xf32>
    %add3A_846 = arith.addf %add3A_844, %slice3A_845 : vector<192x128xf32>
    %slice3A_847 = vector.extract_strided_slice %mul3A_838 {offsets = [576, 0], sizes = [192, 128], strides = [1, 1]} : vector<2304x128xf32> to vector<192x128xf32>
    %add3A_848 = arith.addf %add3A_846, %slice3A_847 : vector<192x128xf32>
    %slice3A_849 = vector.extract_strided_slice %mul3A_838 {offsets = [768, 0], sizes = [192, 128], strides = [1, 1]} : vector<2304x128xf32> to vector<192x128xf32>
    %add3A_850 = arith.addf %add3A_848, %slice3A_849 : vector<192x128xf32>
    %slice3A_851 = vector.extract_strided_slice %mul3A_838 {offsets = [960, 0], sizes = [192, 128], strides = [1, 1]} : vector<2304x128xf32> to vector<192x128xf32>
    %add3A_852 = arith.addf %add3A_850, %slice3A_851 : vector<192x128xf32>
    %slice3A_853 = vector.extract_strided_slice %mul3A_838 {offsets = [1152, 0], sizes = [192, 128], strides = [1, 1]} : vector<2304x128xf32> to vector<192x128xf32>
    %add3A_854 = arith.addf %add3A_852, %slice3A_853 : vector<192x128xf32>
    %slice3A_855 = vector.extract_strided_slice %mul3A_838 {offsets = [1344, 0], sizes = [192, 128], strides = [1, 1]} : vector<2304x128xf32> to vector<192x128xf32>
    %add3A_856 = arith.addf %add3A_854, %slice3A_855 : vector<192x128xf32>
    %slice3A_857 = vector.extract_strided_slice %mul3A_838 {offsets = [1536, 0], sizes = [192, 128], strides = [1, 1]} : vector<2304x128xf32> to vector<192x128xf32>
    %add3A_858 = arith.addf %add3A_856, %slice3A_857 : vector<192x128xf32>
    %slice3A_859 = vector.extract_strided_slice %mul3A_838 {offsets = [1728, 0], sizes = [192, 128], strides = [1, 1]} : vector<2304x128xf32> to vector<192x128xf32>
    %add3A_860 = arith.addf %add3A_858, %slice3A_859 : vector<192x128xf32>
    %slice3A_861 = vector.extract_strided_slice %mul3A_838 {offsets = [1920, 0], sizes = [192, 128], strides = [1, 1]} : vector<2304x128xf32> to vector<192x128xf32>
    %add3A_862 = arith.addf %add3A_860, %slice3A_861 : vector<192x128xf32>
    %slice3A_863 = vector.extract_strided_slice %mul3A_838 {offsets = [2112, 0], sizes = [192, 128], strides = [1, 1]} : vector<2304x128xf32> to vector<192x128xf32>
    %add3A_864 = arith.addf %add3A_862, %slice3A_863 : vector<192x128xf32>
    %get3A_865 = arith.constant 2 : index
    %get3A_866 = arith.constant 0 : index
    %get3A_867 = arith.constant 0 : index
    %get3A_868 = vector.load %arg14[%get3A_865, %get3A_866, %get3A_867] : memref<3x128x128xf32, #tpu.memory_space<vmem>>, vector<1x128x128xf32>
    %get3A_869 = vector.shape_cast %get3A_868 : vector<1x128x128xf32> to vector<128x128xf32>
    %dot_general3A_870 = arith.constant dense<0.000000e+00> : vector<192x128xf32>
    %dot_general3A_871 = tpu.matmul %add3A_864, %get3A_869, %dot_general3A_870 {dimension_numbers = #tpu.dot_dimension_numbers<[1], [0], [0], [1], [0, 0, 1, 1], [], []>, transpose_lhs_hint = false} : vector<192x128xf32>, vector<128x128xf32>, vector<192x128xf32> -> vector<192x128xf32>
    %get3A_872 = arith.constant 2 : index
    %get3A_873 = arith.constant 0 : index
    %get3A_874 = arith.constant 0 : index
    %get3A_875 = vector.load %arg15[%get3A_872, %get3A_873, %get3A_874] : memref<3x1x128xf32, #tpu.memory_space<vmem>>, vector<1x1x128xf32>
    %get3A_876 = vector.shape_cast %get3A_875 : vector<1x1x128xf32> to vector<1x128xf32>
    %add3A_877 = vector.broadcast %get3A_876 : vector<1x128xf32> to vector<192x128xf32>
    %add3A_878 = arith.addf %dot_general3A_871, %add3A_877 : vector<192x128xf32>
    %logistic3A_879 = arith.negf %add3A_878 : vector<192x128xf32>
    %logistic3A_880 = math.exp %logistic3A_879 : vector<192x128xf32>
    %logistic3A_881 = arith.constant 1.000000e+00 : f32
    %logistic3A_882 = vector.broadcast %logistic3A_881 : f32 to vector<192x128xf32>
    %logistic3A_883 = arith.addf %logistic3A_882, %logistic3A_880 : vector<192x128xf32>
    %logistic3A_884 = arith.divf %logistic3A_882, %logistic3A_883 : vector<192x128xf32>
    %mul3A_885 = arith.mulf %add3A_878, %logistic3A_884 : vector<192x128xf32>
    %get3A_886 = arith.constant 2 : index
    %get3A_887 = arith.constant 0 : index
    %get3A_888 = arith.constant 0 : index
    %get3A_889 = vector.load %arg16[%get3A_886, %get3A_887, %get3A_888] : memref<3x128x128xf32, #tpu.memory_space<vmem>>, vector<1x128x128xf32>
    %get3A_890 = vector.shape_cast %get3A_889 : vector<1x128x128xf32> to vector<128x128xf32>
    %dot_general3A_891 = arith.constant dense<0.000000e+00> : vector<192x128xf32>
    %dot_general3A_892 = tpu.matmul %mul3A_885, %get3A_890, %dot_general3A_891 {dimension_numbers = #tpu.dot_dimension_numbers<[1], [0], [0], [1], [0, 0, 1, 1], [], []>, transpose_lhs_hint = false} : vector<192x128xf32>, vector<128x128xf32>, vector<192x128xf32> -> vector<192x128xf32>
    %get3A_893 = arith.constant 2 : index
    %get3A_894 = arith.constant 0 : index
    %get3A_895 = arith.constant 0 : index
    %get3A_896 = vector.load %arg17[%get3A_893, %get3A_894, %get3A_895] : memref<3x1x128xf32, #tpu.memory_space<vmem>>, vector<1x1x128xf32>
    %get3A_897 = vector.shape_cast %get3A_896 : vector<1x1x128xf32> to vector<1x128xf32>
    %add3A_898 = vector.broadcast %get3A_897 : vector<1x128xf32> to vector<192x128xf32>
    %add3A_899 = arith.addf %dot_general3A_892, %add3A_898 : vector<192x128xf32>
    %add3A_900 = arith.addf %add3A_782, %add3A_899 : vector<192x128xf32>
    %reduce_sum3A_901 = arith.constant dense<0.000000e+00> : vector<192xf32>
    %reduce_sum3A_902 = vector.multi_reduction <add>, %add3A_900, %reduce_sum3A_901 [1] : vector<192x128xf32> to vector<192xf32>
    %broadcast_in_dim3A_903 = vector.shape_cast %reduce_sum3A_902 : vector<192xf32> to vector<192x1xf32>
    %div3A_904 = arith.constant 1.280000e+02 : f32
    %div3A_905 = vector.broadcast %div3A_904 : f32 to vector<192x1xf32>
    %div3A_906 = arith.divf %broadcast_in_dim3A_903, %div3A_905 : vector<192x1xf32>
    %sub3A_907 = vector.broadcast %div3A_906 : vector<192x1xf32> to vector<192x128xf32>
    %sub3A_908 = arith.subf %add3A_900, %sub3A_907 : vector<192x128xf32>
    %mul3A_909 = arith.mulf %sub3A_908, %sub3A_908 : vector<192x128xf32>
    %reduce_sum3A_910 = arith.constant dense<0.000000e+00> : vector<192xf32>
    %reduce_sum3A_911 = vector.multi_reduction <add>, %mul3A_909, %reduce_sum3A_910 [1] : vector<192x128xf32> to vector<192xf32>
    %broadcast_in_dim3A_912 = vector.shape_cast %reduce_sum3A_911 : vector<192xf32> to vector<192x1xf32>
    %div3A_913 = arith.constant 1.280000e+02 : f32
    %div3A_914 = vector.broadcast %div3A_913 : f32 to vector<192x1xf32>
    %div3A_915 = arith.divf %broadcast_in_dim3A_912, %div3A_914 : vector<192x1xf32>
    %add3A_916 = arith.constant 9.99999974E-6 : f32
    %add3A_917 = vector.broadcast %add3A_916 : f32 to vector<192x1xf32>
    %add3A_918 = arith.addf %div3A_915, %add3A_917 : vector<192x1xf32>
    %sqrt3A_919 = math.sqrt %add3A_918 : vector<192x1xf32>
    %div3A_920 = vector.broadcast %sqrt3A_919 : vector<192x1xf32> to vector<192x128xf32>
    %div3A_921 = arith.divf %sub3A_908, %div3A_920 : vector<192x128xf32>
    %get3A_922 = arith.constant 2 : index
    %get3A_923 = arith.constant 0 : index
    %get3A_924 = arith.constant 0 : index
    %get3A_925 = vector.load %arg18[%get3A_922, %get3A_923, %get3A_924] : memref<3x1x128xf32, #tpu.memory_space<vmem>>, vector<1x1x128xf32>
    %get3A_926 = vector.shape_cast %get3A_925 : vector<1x1x128xf32> to vector<1x128xf32>
    %mul3A_927 = vector.broadcast %get3A_926 : vector<1x128xf32> to vector<192x128xf32>
    %mul3A_928 = arith.mulf %div3A_921, %mul3A_927 : vector<192x128xf32>
    %get3A_929 = arith.constant 2 : index
    %get3A_930 = arith.constant 0 : index
    %get3A_931 = arith.constant 0 : index
    %get3A_932 = vector.load %arg19[%get3A_929, %get3A_930, %get3A_931] : memref<3x1x128xf32, #tpu.memory_space<vmem>>, vector<1x1x128xf32>
    %get3A_933 = vector.shape_cast %get3A_932 : vector<1x1x128xf32> to vector<1x128xf32>
    %add3A_934 = vector.broadcast %get3A_933 : vector<1x128xf32> to vector<192x128xf32>
    %add3A_935 = arith.addf %mul3A_928, %add3A_934 : vector<192x128xf32>
    %get3A_936 = arith.constant 0 : index
    %get3A_937 = arith.constant 0 : index
    %get3A_938 = arith.constant 0 : index
    %get3A_939 = vector.load %arg5[%get3A_936, %get3A_937, %get3A_938] : memref<1x1x192xi32, #tpu.memory_space<vmem>>, vector<1x1x192xi32>
    %get3A_940 = vector.shape_cast %get3A_939 : vector<1x1x192xi32> to vector<1x192xi32>
    %iota3A_941 = tpu.iota {dimensions = array<i32: 0>} : vector<184x1xi32>
    %eq3A_942 = vector.broadcast %iota3A_941 : vector<184x1xi32> to vector<184x192xi32>
    %eq3A_943 = vector.broadcast %get3A_940 : vector<1x192xi32> to vector<184x192xi32>
    %eq3A_944 = arith.cmpi eq, %eq3A_942, %eq3A_943 : vector<184x192xi32>
    %ge3A_945 = arith.constant 0 : i32
    %ge3A_946 = vector.broadcast %ge3A_945 : i32 to vector<1x192xi32>
    %ge3A_947 = arith.cmpi sge, %get3A_20, %ge3A_946 : vector<1x192xi32>
    %and3A_948 = vector.broadcast %ge3A_947 : vector<1x192xi1> to vector<184x192xi1>
    %and3A_949 = arith.andi %eq3A_944, %and3A_948 : vector<184x192xi1>
    %jit3A_950 = arith.constant 1.000000e+00 : f32
    %jit3A_951 = arith.constant 0.000000e+00 : f32
    %broadcast_in_dim3A_952 = vector.broadcast %jit3A_950 : f32 to vector<184x192xf32>
    %broadcast_in_dim3A_953 = vector.broadcast %jit3A_951 : f32 to vector<184x192xf32>
    %select_n3A_954 = arith.select %and3A_949, %broadcast_in_dim3A_952, %broadcast_in_dim3A_953 : vector<184x192xi1>, vector<184x192xf32>
    %get3A_955 = arith.constant 0 : index
    %get3A_956 = arith.constant 0 : index
    %get3A_957 = vector.load %arg28[%get3A_955, %get3A_956] : memref<184x128xf32, #tpu.memory_space<vmem>>, vector<184x128xf32>
    %dot_general3A_958 = arith.constant dense<0.000000e+00> : vector<184x128xf32>
    %dot_general3A_959 = tpu.matmul %select_n3A_954, %add3A_935, %dot_general3A_958 {dimension_numbers = #tpu.dot_dimension_numbers<[1], [0], [0], [1], [0, 0, 1, 1], [], []>, transpose_lhs_hint = false} : vector<184x192xf32>, vector<192x128xf32>, vector<184x128xf32> -> vector<184x128xf32>
    %add3A_960 = arith.addf %get3A_957, %dot_general3A_959 : vector<184x128xf32>
    %swap3A = arith.constant 0 : index
    %swap3A_961 = arith.constant 0 : index
    %swap3A_962 = vector.load %arg28[%swap3A, %swap3A_961] : memref<184x128xf32, #tpu.memory_space<vmem>>, vector<184x128xf32>
    tpu.vector_store %arg28[%swap3A, %swap3A_961], %add3A_960 {strides = array<i32>} : memref<184x128xf32, #tpu.memory_space<vmem>>, vector<184x128xf32>,
    %get3A_963 = arith.constant 0 : index
    %get3A_964 = arith.constant 0 : index
    %get3A_965 = vector.load %arg29[%get3A_963, %get3A_964] : memref<184x128xf32, #tpu.memory_space<vmem>>, vector<184x128xf32>
    %reduce_sum3A_966 = arith.constant dense<0.000000e+00> : vector<184xf32>
    %reduce_sum3A_967 = vector.multi_reduction <add>, %select_n3A_954, %reduce_sum3A_966 [1] : vector<184x192xf32> to vector<184xf32>
    %broadcast_in_dim3A_968 = vector.shape_cast %reduce_sum3A_967 : vector<184xf32> to vector<184x1xf32>
    %add3A_969 = vector.broadcast %broadcast_in_dim3A_968 : vector<184x1xf32> to vector<184x128xf32>
    %add3A_970 = arith.addf %get3A_965, %add3A_969 : vector<184x128xf32>
    %swap3A_971 = arith.constant 0 : index
    %swap3A_972 = arith.constant 0 : index
    %swap3A_973 = vector.load %arg29[%swap3A_971, %swap3A_972] : memref<184x128xf32, #tpu.memory_space<vmem>>, vector<184x128xf32>
    tpu.vector_store %arg29[%swap3A_971, %swap3A_972], %add3A_970 {strides = array<i32>} : memref<184x128xf32, #tpu.memory_space<vmem>>, vector<184x128xf32>,
    %eq3A_974 = arith.constant 85 : i32
    %eq3A_975 = arith.cmpi eq, %arg0, %eq3A_974 : i32
    %convert_element_type3A_976 = arith.extui %eq3A_975 : i1 to i32
    %cond3A_977 = arith.constant 0 : i32
    %cond3A_978 = arith.cmpi ne, %convert_element_type3A_976, %cond3A_977 : i32
    scf.if %cond3A_978 {
      %get3A_979 = arith.constant 0 : index
      %get3A_980 = arith.constant 0 : index
      %get3A_981 = vector.load %arg28[%get3A_979, %get3A_980] : memref<184x128xf32, #tpu.memory_space<vmem>>, vector<184x128xf32>
      %get3A_982 = arith.constant 0 : index
      %get3A_983 = arith.constant 0 : index
      %get3A_984 = vector.load %arg29[%get3A_982, %get3A_983] : memref<184x128xf32, #tpu.memory_space<vmem>>, vector<184x128xf32>
      %div3A_985 = arith.divf %get3A_981, %get3A_984 : vector<184x128xf32>
      %get3A_986 = arith.constant 0 : index
      %get3A_987 = arith.constant 0 : index
      %get3A_988 = vector.load %arg22[%get3A_986, %get3A_987] : memref<128x128xf32, #tpu.memory_space<vmem>>, vector<128x128xf32>
      %dot_general3A_989 = arith.constant dense<0.000000e+00> : vector<184x128xf32>
      %dot_general3A_990 = tpu.matmul %div3A_985, %get3A_988, %dot_general3A_989 {dimension_numbers = #tpu.dot_dimension_numbers<[1], [0], [0], [1], [0, 0, 1, 1], [], []>, transpose_lhs_hint = false} : vector<184x128xf32>, vector<128x128xf32>, vector<184x128xf32> -> vector<184x128xf32>
      %get3A_991 = arith.constant 0 : index
      %get3A_992 = arith.constant 0 : index
      %get3A_993 = vector.load %arg21[%get3A_991, %get3A_992] : memref<184x16xf32, #tpu.memory_space<vmem>>, vector<184x16xf32>
      %get3A_994 = arith.constant 0 : index
      %get3A_995 = arith.constant 0 : index
      %get3A_996 = vector.load %arg23[%get3A_994, %get3A_995] : memref<16x128xf32, #tpu.memory_space<vmem>>, vector<16x128xf32>
      %dot_general3A_997 = arith.constant dense<0.000000e+00> : vector<184x128xf32>
      %dot_general3A_998 = tpu.matmul %get3A_993, %get3A_996, %dot_general3A_997 {dimension_numbers = #tpu.dot_dimension_numbers<[1], [0], [0], [1], [0, 0, 1, 1], [], []>, transpose_lhs_hint = false} : vector<184x16xf32>, vector<16x128xf32>, vector<184x128xf32> -> vector<184x128xf32>
      %add3A_999 = arith.addf %dot_general3A_990, %dot_general3A_998 : vector<184x128xf32>
      %get3A_1000 = arith.constant 0 : index
      %get3A_1001 = arith.constant 0 : index
      %get3A_1002 = vector.load %arg24[%get3A_1000, %get3A_1001] : memref<1x128xf32, #tpu.memory_space<vmem>>, vector<1x128xf32>
      %add3A_1003 = vector.broadcast %get3A_1002 : vector<1x128xf32> to vector<184x128xf32>
      %add3A_1004 = arith.addf %add3A_999, %add3A_1003 : vector<184x128xf32>
      %logistic3A_1005 = arith.negf %add3A_1004 : vector<184x128xf32>
      %logistic3A_1006 = math.exp %logistic3A_1005 : vector<184x128xf32>
      %logistic3A_1007 = arith.constant 1.000000e+00 : f32
      %logistic3A_1008 = vector.broadcast %logistic3A_1007 : f32 to vector<184x128xf32>
      %logistic3A_1009 = arith.addf %logistic3A_1008, %logistic3A_1006 : vector<184x128xf32>
      %logistic3A_1010 = arith.divf %logistic3A_1008, %logistic3A_1009 : vector<184x128xf32>
      %mul3A_1011 = arith.mulf %add3A_1004, %logistic3A_1010 : vector<184x128xf32>
      %get3A_1012 = arith.constant 0 : index
      %get3A_1013 = arith.constant 0 : index
      %get3A_1014 = vector.load %arg25[%get3A_1012, %get3A_1013] : memref<128x512xf32, #tpu.memory_space<vmem>>, vector<128x512xf32>
      %dot_general3A_1015 = arith.constant dense<0.000000e+00> : vector<184x512xf32>
      %dot_general3A_1016 = tpu.matmul %mul3A_1011, %get3A_1014, %dot_general3A_1015 {dimension_numbers = #tpu.dot_dimension_numbers<[1], [0], [0], [1], [0, 0, 1, 1], [], []>, transpose_lhs_hint = false} : vector<184x128xf32>, vector<128x512xf32>, vector<184x512xf32> -> vector<184x512xf32>
      %get3A_1017 = arith.constant 0 : index
      %get3A_1018 = arith.constant 0 : index
      %get3A_1019 = vector.load %arg26[%get3A_1017, %get3A_1018] : memref<1x512xf32, #tpu.memory_space<vmem>>, vector<1x512xf32>
      %add3A_1020 = vector.broadcast %get3A_1019 : vector<1x512xf32> to vector<184x512xf32>
      %add3A_1021 = arith.addf %dot_general3A_1016, %add3A_1020 : vector<184x512xf32>
      %swap3A_1022 = arith.constant 0 : index
      %swap3A_1023 = arith.constant 0 : index
      %swap3A_1024 = vector.load %arg27[%swap3A_1022, %swap3A_1023] : memref<184x512xf32, #tpu.memory_space<vmem>>, vector<184x512xf32>
      tpu.vector_store %arg27[%swap3A_1022, %swap3A_1023], %add3A_1021 {strides = array<i32>} : memref<184x512xf32, #tpu.memory_space<vmem>>, vector<184x512xf32>,
    } else {
    }
    return
  }
  func.func @transform_0(%arg0: i32) -> (i32, i32, i32) {
    %c0_i32 = arith.constant 0 : i32
    %c0_i32_0 = arith.constant 0 : i32
    %c0_i32_1 = arith.constant 0 : i32
    return %arg0, %c0_i32, %c0_i32_0 : i32, i32, i32
  }
  func.func @transform_1(%arg0: i32) -> (i32, i32, i32) {
    %c0_i32 = arith.constant 0 : i32
    %c0_i32_0 = arith.constant 0 : i32
    %c0_i32_1 = arith.constant 0 : i32
    return %arg0, %c0_i32, %c0_i32_0 : i32, i32, i32
  }
  func.func @transform_2(%arg0: i32) -> (i32, i32, i32) {
    %c0_i32 = arith.constant 0 : i32
    %c0_i32_0 = arith.constant 0 : i32
    %c0_i32_1 = arith.constant 0 : i32
    return %arg0, %c0_i32, %c0_i32_0 : i32, i32, i32
  }
  func.func @transform_3(%arg0: i32) -> (i32, i32, i32) {
    %c0_i32 = arith.constant 0 : i32
    %c0_i32_0 = arith.constant 0 : i32
    %c0_i32_1 = arith.constant 0 : i32
    return %arg0, %c0_i32, %c0_i32_0 : i32, i32, i32
  }
  func.func @transform_4(%arg0: i32) -> (i32, i32, i32) {
    %c0_i32 = arith.constant 0 : i32
    %c0_i32_0 = arith.constant 0 : i32
    %c0_i32_1 = arith.constant 0 : i32
    return %arg0, %c0_i32, %c0_i32_0 : i32, i32, i32
  }
  func.func @transform_5(%arg0: i32) -> (i32, i32, i32) {
    %c0_i32 = arith.constant 0 : i32
    %c0_i32_0 = arith.constant 0 : i32
    %c0_i32_1 = arith.constant 0 : i32
    return %arg0, %c0_i32, %c0_i32_0 : i32, i32, i32
  }
  func.func @transform_6(%arg0: i32) -> (i32, i32, i32) {
    %c0_i32 = arith.constant 0 : i32
    %c0_i32_0 = arith.constant 0 : i32
    %c0_i32_1 = arith.constant 0 : i32
    return %arg0, %c0_i32, %c0_i32_0 : i32, i32, i32
  }
  func.func @transform_7(%arg0: i32) -> (i32, i32, i32) {
    %c0_i32 = arith.constant 0 : i32
    %c0_i32_0 = arith.constant 0 : i32
    %c0_i32_1 = arith.constant 0 : i32
    return %arg0, %c0_i32, %c0_i32_0 : i32, i32, i32
  }
  func.func @transform_8(%arg0: i32) -> (i32, i32) {
    %c0_i32 = arith.constant 0 : i32
    %c0_i32_0 = arith.constant 0 : i32
    %c0_i32_1 = arith.constant 0 : i32
    return %c0_i32, %c0_i32_0 : i32, i32
  }
  func.func @transform_9(%arg0: i32) -> (i32, i32, i32) {
    %c0_i32 = arith.constant 0 : i32
    %c0_i32_0 = arith.constant 0 : i32
    %c0_i32_1 = arith.constant 0 : i32
    %c0_i32_2 = arith.constant 0 : i32
    return %c0_i32, %c0_i32_0, %c0_i32_1 : i32, i32, i32
  }
  func.func @transform_10(%arg0: i32) -> (i32, i32, i32) {
    %c0_i32 = arith.constant 0 : i32
    %c0_i32_0 = arith.constant 0 : i32
    %c0_i32_1 = arith.constant 0 : i32
    %c0_i32_2 = arith.constant 0 : i32
    return %c0_i32, %c0_i32_0, %c0_i32_1 : i32, i32, i32
  }
  func.func @transform_11(%arg0: i32) -> (i32, i32, i32) {
    %c0_i32 = arith.constant 0 : i32
    %c0_i32_0 = arith.constant 0 : i32
    %c0_i32_1 = arith.constant 0 : i32
    %c0_i32_2 = arith.constant 0 : i32
    return %c0_i32, %c0_i32_0, %c0_i32_1 : i32, i32, i32
  }
  func.func @transform_12(%arg0: i32) -> (i32, i32, i32) {
    %c0_i32 = arith.constant 0 : i32
    %c0_i32_0 = arith.constant 0 : i32
    %c0_i32_1 = arith.constant 0 : i32
    %c0_i32_2 = arith.constant 0 : i32
    return %c0_i32, %c0_i32_0, %c0_i32_1 : i32, i32, i32
  }
  func.func @transform_13(%arg0: i32) -> (i32, i32, i32) {
    %c0_i32 = arith.constant 0 : i32
    %c0_i32_0 = arith.constant 0 : i32
    %c0_i32_1 = arith.constant 0 : i32
    %c0_i32_2 = arith.constant 0 : i32
    return %c0_i32, %c0_i32_0, %c0_i32_1 : i32, i32, i32
  }
  func.func @transform_14(%arg0: i32) -> (i32, i32, i32) {
    %c0_i32 = arith.constant 0 : i32
    %c0_i32_0 = arith.constant 0 : i32
    %c0_i32_1 = arith.constant 0 : i32
    %c0_i32_2 = arith.constant 0 : i32
    return %c0_i32, %c0_i32_0, %c0_i32_1 : i32, i32, i32
  }
  func.func @transform_15(%arg0: i32) -> (i32, i32, i32) {
    %c0_i32 = arith.constant 0 : i32
    %c0_i32_0 = arith.constant 0 : i32
    %c0_i32_1 = arith.constant 0 : i32
    %c0_i32_2 = arith.constant 0 : i32
    return %c0_i32, %c0_i32_0, %c0_i32_1 : i32, i32, i32
  }
  func.func @transform_16(%arg0: i32) -> (i32, i32, i32) {
    %c0_i32 = arith.constant 0 : i32
    %c0_i32_0 = arith.constant 0 : i32
    %c0_i32_1 = arith.constant 0 : i32
    %c0_i32_2 = arith.constant 0 : i32
    return %c0_i32, %c0_i32_0, %c0_i32_1 : i32, i32, i32
  }
  func.func @transform_17(%arg0: i32) -> (i32, i32, i32) {
    %c0_i32 = arith.constant 0 : i32
    %c0_i32_0 = arith.constant 0 : i32
    %c0_i32_1 = arith.constant 0 : i32
    %c0_i32_2 = arith.constant 0 : i32
    return %c0_i32, %c0_i32_0, %c0_i32_1 : i32, i32, i32
  }
  func.func @transform_18(%arg0: i32) -> (i32, i32, i32) {
    %c0_i32 = arith.constant 0 : i32
    %c0_i32_0 = arith.constant 0 : i32
    %c0_i32_1 = arith.constant 0 : i32
    %c0_i32_2 = arith.constant 0 : i32
    return %c0_i32, %c0_i32_0, %c0_i32_1 : i32, i32, i32
  }
  func.func @transform_19(%arg0: i32) -> (i32, i32) {
    %c0_i32 = arith.constant 0 : i32
    %c0_i32_0 = arith.constant 0 : i32
    %c0_i32_1 = arith.constant 0 : i32
    return %c0_i32, %c0_i32_0 : i32, i32
  }
  func.func @transform_20(%arg0: i32) -> (i32, i32) {
    %c0_i32 = arith.constant 0 : i32
    %c0_i32_0 = arith.constant 0 : i32
    %c0_i32_1 = arith.constant 0 : i32
    return %c0_i32, %c0_i32_0 : i32, i32
  }
  func.func @transform_21(%arg0: i32) -> (i32, i32) {
    %c0_i32 = arith.constant 0 : i32
    %c0_i32_0 = arith.constant 0 : i32
    %c0_i32_1 = arith.constant 0 : i32
    return %c0_i32, %c0_i32_0 : i32, i32
  }
  func.func @transform_22(%arg0: i32) -> (i32, i32) {
    %c0_i32 = arith.constant 0 : i32
    %c0_i32_0 = arith.constant 0 : i32
    %c0_i32_1 = arith.constant 0 : i32
    return %c0_i32, %c0_i32_0 : i32, i32
  }
  func.func @transform_23(%arg0: i32) -> (i32, i32) {
    %c0_i32 = arith.constant 0 : i32
    %c0_i32_0 = arith.constant 0 : i32
    %c0_i32_1 = arith.constant 0 : i32
    return %c0_i32, %c0_i32_0 : i32, i32
  }
  func.func @transform_24(%arg0: i32) -> (i32, i32) {
    %c0_i32 = arith.constant 0 : i32
    %c0_i32_0 = arith.constant 0 : i32
    %c0_i32_1 = arith.constant 0 : i32
    return %c0_i32, %c0_i32_0 : i32, i32
  }
  func.func @transform_25(%arg0: i32) -> (i32, i32) {
    %c0_i32 = arith.constant 0 : i32
    %c0_i32_0 = arith.constant 0 : i32
    %c0_i32_1 = arith.constant 0 : i32
    return %c0_i32, %c0_i32_0 : i32, i32
  }
  func.func @transform_26(%arg0: i32) -> (i32, i32) {
    %c0_i32 = arith.constant 0 : i32
    %c0_i32_0 = arith.constant 0 : i32
    %c0_i32_1 = arith.constant 0 : i32
    return %c0_i32, %c0_i32_0 : i32, i32
  }
}

</mosaic_0001>

<sc_bundles>
// kernel: gather_offload_async_start.1
scs
__scs_entry_jumppad:
0x0: {  	(pc) =	sbr.rel $0x88, $3  }
0x1: {  	(tag) =	ssettag $0x0;
	lr =	simm.s32 $0x1  }
0x2: {  	[smem:$0x3F79] =	sst lr;
	_ =	strace $0xD0000000  }
0x3: {  	_ = 	snop  }
0x4: {  	_ = 	snop  }
0x5: {  	_ = 	snop  }
0x6: {  	_ = 	snop  }
0x7: {  	_ = 	snop  }
__scs_overlays_trampoline_lowered:
0x8: {  	[smem:$0x3F88] =	sst s0  }
0x9: {  	[smem:$0x3F89] =	sst s1  }
0xa: {  	[smem:$0x3F8A] =	sst s2  }
0xb: {  	[smem:$0x3F8B] =	sst s3  }
0xc: {  	[smem:$0x3F8C] =	sst s4  }
0xd: {  	[smem:$0x3F8D] =	sst s5  }
0xe: {  	[smem:$0x3F8E] =	sst s6  }
0xf: {  	[smem:$0x3F8F] =	sst s7  }
0x10: {  	[smem:$0x3F90] =	sst s8  }
0x11: {  	[smem:$0x3F91] =	sst s9;
	s0 =	simm.s32 @!p0 $0x0  }
0x12: {  	s1 =	sld [smem:$0x3F77];
	s0 =	simm.s32 @p0 $0x1  }
0x13: {  	[smem:$0x3F92] =	sst s0;
	s0 =	simm.s32 @!p1 $0x0  }
0x14: {  	s2 =	sld [smem:$0x3F76];
	s0 =	simm.s32 @p1 $0x1  }
0x15: {  	[smem:$0x3F93] =	sst s0;
	s0 =	simm.s32 @!p2 $0x0  }
0x16: {  	s3 =	sld [smem:$0x3FDB];
	s0 =	simm.s32 @p2 $0x1  }
0x17: {  	s4 =	simm.s32 $0x1BF5;
	[smem:$0x3F95] =	sst s0  }
0x18: {  	s0 =	sld [smem:$0x3F78];
	_ =	swait.ge [sflag:s4], $0x0  }
0x19: {  	s7 =	sld [smem:$0x3F79]  }
0x1a: {  	s8 =	sadd.s32 $0xFFFFE003, lr  }
0x1b: {  	s9 =	sadd.s32 $0xFFFFFEF7, lr;
	s5 =	simm.s32 $0xFFFFFFFF;
	p2 =	slt.u32 s8, $0xFFFFF086  }
0x1c: {  	p1 =	slt.u32 s9, $0xF7A;
	s5 =	simm.s32 @!p2 $0x0  }
0x1d: {  	s5 =	simm.s32 @p1 $0x1;
	p0 =	seq.s32 s7, s2  }
0x1e: {  	s7 =	smul.u32 @!p0 $0xF7A, s2;
	p2 =	seq.s32 @!p0 s5, $0x0  }
0x1f: {  	s9 =	smul.u32 $0xF7A, s1;
	s8 =	simm.s32 @!p0 $0x1BF5;
	p2 =	por !p2, p0  }
0x20: {  	[sflag:s8] =	ssyncset.s32 @!p0 $0xFFFFF086;
	s6 =	sadd.s32 @!p0 s3, s7;
	s7 =	simm.s32 @!p0 $0x108  }
0x21: {  	s3 =	sadd.s32 s3, s9;
	s6 =	sadd.s32 @!p0 $0x88, s6;
	s7 =	simm.s32 @p2 $0x1082  }
0x22: {  	[simem:s7], [sflag:s8] =	dma.local @!p0 [hbm:s6], $0xF7A  }
0x23: {  	s9 =	sor.u32 $0xD0000000, s2;
	s6 =	simm.s32 $0x108;
	_ =	swait.ge @!p0 [sflag:s8], $0x0  }
0x24: {  	s3 =	sadd.s32 $0x88, s3;
	s6 =	simm.s32 @!p1 $0x1082;
	[sflag:s4] =	ssyncset.s32 $0xFFFFF086  }
0x25: {  	[simem:s6], [sflag:s4] =	dma.local [hbm:s3], $0xF7A  }
0x26: {  	[smem:$0x3F79] =	sst s1;
	(tag) =	ssettag s2;
	_ =	strace s9  }
0x27: {  	s1 =	sld [smem:$0x3F89]  }
0x28: {  	s2 =	sld [smem:$0x3F8A]  }
0x29: {  	s4 =	sld [smem:$0x3F8C]  }
0x2a: {  	p0 =	seq.s32 s5, $0x0;
	s5 =	sld [smem:$0x3F8D]  }
0x2b: {  	s6 =	sld [smem:$0x3F8E]  }
0x2c: {  	s7 =	sld [smem:$0x3F8F]  }
0x2d: {  	s3 =	simm.s32 $0x108;
	s8 =	sld [smem:$0x3F90]  }
0x2e: {  	s3 =	simm.s32 @!p0 $0x1082;
	s9 =	sld [smem:$0x3F91]  }
0x2f: {  	lr =	sadd.s32 s0, s3;
	s0 =	sld [smem:$0x3F88]  }
0x30: {  	s3 =	sld [smem:$0x3F8B]  }
0x31: {  	[smem:$0x3F94] =	sst s10  }
0x32: {  	s10 =	sld [smem:$0x3F92];
	_ =	sdelay $0x3  }
0x33: {  	p0 =	seq.s32 s10, $0x1;
	s10 =	sld [smem:$0x3F94];
	_ =	sdelay $0x3  }
0x34: {  	[smem:$0x3F94] =	sst s10  }
0x35: {  	s10 =	sld [smem:$0x3F93];
	_ =	sdelay $0x3  }
0x36: {  	p1 =	seq.s32 s10, $0x1;
	s10 =	sld [smem:$0x3F94];
	_ =	sdelay $0x3  }
0x37: {  	[smem:$0x3F94] =	sst s10  }
0x38: {  	s10 =	sld [smem:$0x3F95]  }
0x39: {  	_ = 	snop;
	(pc) =	sbr.ind lr, $3  }
0x3a: {  	_ = 	snop  }
0x3b: {  	_ = 	snop  }
0x3c: {  	p2 =	seq.s32 s10, $0x1;
	s10 =	sld [smem:$0x3F94]  }
0x3d: {  	_ =	shalt  }
0x3e: {  	_ =	shalt  }
0x3f: {  	_ =	shalt  }
0x40: {  	_ =	shalt  }
0x41: {  	_ =	shalt  }
0x42: {  	_ =	shalt  }
0x43: {  	_ =	shalt  }
0x44: {  	_ =	shalt  }
0x45: {  	_ =	shalt  }
0x46: {  	_ =	shalt  }
0x47: {  	_ =	shalt  }
0x48: {  	_ =	shalt  }
0x49: {  	_ =	shalt  }
0x4a: {  	_ =	shalt  }
0x4b: {  	_ =	shalt  }
0x4c: {  	_ =	shalt  }
0x4d: {  	_ =	shalt  }
0x4e: {  	_ =	shalt  }
0x4f: {  	_ =	shalt  }
0x50: {  	_ =	shalt  }
0x51: {  	_ =	shalt  }
0x52: {  	_ =	shalt  }
0x53: {  	_ =	shalt  }
0x54: {  	_ =	shalt  }
0x55: {  	_ =	shalt  }
0x56: {  	_ =	shalt  }
0x57: {  	_ =	shalt  }
0x58: {  	_ =	shalt  }
0x59: {  	_ =	shalt  }
0x5a: {  	_ =	shalt  }
0x5b: {  	_ =	shalt  }
0x5c: {  	_ =	shalt  }
0x5d: {  	_ =	shalt  }
0x5e: {  	_ =	shalt  }
0x5f: {  	_ =	shalt  }
0x60: {  	_ =	shalt  }
0x61: {  	_ =	shalt  }
0x62: {  	_ =	shalt  }
0x63: {  	_ =	shalt  }
0x64: {  	_ =	shalt  }
0x65: {  	_ =	shalt  }
0x66: {  	_ =	shalt  }
0x67: {  	_ =	shalt  }
0x68: {  	_ =	shalt  }
0x69: {  	_ =	shalt  }
0x6a: {  	_ =	shalt  }
0x6b: {  	_ =	shalt  }
0x6c: {  	_ =	shalt  }
0x6d: {  	_ =	shalt  }
0x6e: {  	_ =	shalt  }
0x6f: {  	_ =	shalt  }
0x70: {  	_ =	shalt  }
0x71: {  	_ =	shalt  }
0x72: {  	_ =	shalt  }
0x73: {  	_ =	shalt  }
0x74: {  	_ =	shalt  }
0x75: {  	_ =	shalt  }
0x76: {  	_ =	shalt  }
0x77: {  	_ =	shalt  }
0x78: {  	_ =	shalt  }
0x79: {  	_ =	shalt  }
0x7a: {  	_ =	shalt  }
0x7b: {  	_ =	shalt  }
0x7c: {  	_ =	shalt  }
0x7d: {  	_ =	shalt  }
0x7e: {  	_ =	shalt  }
0x7f: {  	_ =	shalt  }
0x80: {  	_ =	shalt  }
0x81: {  	_ =	shalt  }
0x82: {  	_ =	shalt  }
0x83: {  	_ =	shalt  }
0x84: {  	_ =	shalt  }
0x85: {  	_ =	shalt  }
0x86: {  	_ =	shalt  }
0x87: {  	_ =	shalt  }
.Lfunc_end0:
.L_simem_size_0:
called_computation.1_lowered:
.L_overlay_start_0:
0x88: {  	s2 =	sld [smem:$0x3FD9]  }
0x89: {  	s3 =	sld [smem:$0x3FFE];
	_ =	sdelay $0x1  }
0x8a: {  	s1 =	srdreg.scid  }
0x8b: {  	s0 =	sand.u32 $0x1, s1  }
0x8c: {  	s14 =	sshll.u32 s0, $0xA;
	s2 =	sadd.s32 s3, s2  }
0x8d: {  	s2 =	sadd.s32 s2, s14  }
0x8e: {  	[smem:$0x3FA0] =	sst s2  }
0x8f: {  	_ = 	snop  }
0x90: {  	s2 =	sld [smem:$0x3FD0];
	_ =	sdelay $0x2  }
0x91: {  	s4 =	simm.s32 $0xC;
	s5 =	simm.s32 $0x10;
	s15 =	sld [smem:$0x3FC7]  }
0x92: {  	[smem:s5], [sflag:s4] =	dma.local [hbm:s2], $0x1  }
0x93: {  	_ =	swait.eq [sflag:s4], $0x1  }
0x94: {  	[sflag:s4] =	ssyncset.done $0x0  }
0x95: {  	[sflag:s4] =	ssyncadd.s32 $0xFFFFFFFF  }
0x96: {  	s16 =	sld [smem:$0x10];
	(tm) =	ssettm $0x1  }
0x97: {  	s17 =	sld [smem:$0x3FFB];
	_ =	sdelay $0x3  }
0x98: {  	_ =	strace s17  }
0x99: {  	s4 =	sld [smem:$0x3FFC];
	_ =	sdelay $0x3  }
0x9a: {  	_ =	strace s4  }
0x9b: {  	s4 =	sld [smem:$0x3FFD];
	_ =	sdelay $0x3  }
0x9c: {  	_ =	strace s4  }
0x9d: {  	_ =	strace $0x8FFFFFFF  }
0x9e: {  	s18 =	sld [smem:$0x3FDB];
	_ =	sdelay $0x1  }
0x9f: {  	s19 =	simm.s32 $_scs_section_size  }
0xa0: {  	s6 =	simm.s32 $_size__tile_overlayer_lowered;
	s7 =	simm.s32 $_tile_overlayer_lowered  }
0xa1: {  	s22 =	simm.s32 $0x1BFF;
	s21 =	sshll.u32 s7, $0x1;
	s4 =	sadd.s32 s19, s18  }
0xa2: {  	s8 =	simm.s32 $0x0;
	s20 =	sshll.u32 s6, $0x1;
	s6 =	sadd.s32 s21, s4  }
0xa3: {  	[timem:s8], [sflag:s22] =	dma.local [hbm:s6], s20  }
0xa4: {  	_ =	swait.ge [sflag:s22], s20  }
0xa5: {  	s5 =	ssub.s32 $0x0, s20;
	[sflag:s22] =	ssyncset.done $0x0  }
0xa6: {  	[sflag:s22] =	ssyncadd.s32 s5;
	_ =	sdelay $0x1  }
0xa7: {  	s23 =	simm.s32 $0x1B8B  }
0xa8: {  	_ =	swait.ge [sflag:s23], $0x1  }
0xa9: {  	[sflag:s23] =	ssyncset.done $0x0  }
0xaa: {  	s25 =	simm.s32 $0x1B8E;
	s24 =	sld [smem:$0x3FFE];
	[sflag:s23] =	ssyncadd.s32 $0xFFFFFFFF  }
0xab: {  	s26 =	simm.s32 $execute0_lowered;
	[smem:$0x3FD2] =	sst s25  }
0xac: {  	s6 =	sshll.u32 s26, $0x1;
	_ =	strace $0x80000046;
	[dreg:$0x1] =	wrdreg $0xFFFFFFFF  }
0xad: {  	s28 =	simm.s32 $_size_execute0_lowered;
	s4 =	sadd.s32 s4, s6;
	[dreg:$0x0] =	wrdreg $0x0  }
0xae: {  	s6 =	sshll.u32 s28, $0x1;
	[dreg:$0x2] =	wrdreg s4  }
0xaf: {  	[dreg:$0x3] =	wrdreg s6  }
0xb0: {  	[dreg:$0x4] =	wrdreg $0xC0  }
0xb1: {  	_ =	task [dreg:s8], $0x5FFFF  }
0xb2: {  	[dreg:$0x1] =	wrdreg $0xFFFFFFFF  }
0xb3: {  	[dreg:$0x0] =	wrdreg $0x60  }
0xb4: {  	[dreg:$0x2] =	wrdreg s15  }
0xb5: {  	[dreg:$0x3] =	wrdreg s16  }
0xb6: {  	[dreg:$0x4] =	wrdreg s24  }
0xb7: {  	[dreg:$0x5] =	wrdreg $0xA  }
0xb8: {  	_ =	task.clear_ibuf [dreg:s8], $0x6FFFF;
	_ =	strace $0x90000046  }
0xb9: {  	s29 =	simm.s32 $0xA;
	_ =	strace $0x80000048  }
0xba: {  	_ =	swait.ge [sflag:s29], $0x1  }
0xbb: {  	[sflag:s29] =	ssyncadd.s32 $0xFFFFFFFF  }
0xbc: {  	_ =	strace $0x90000048  }
0xbd: {  	_ =	sfence  }
0xbe: {  	s30 =	sld [smem:$0x0];
	_ =	sdelay $0x2  }
0xbf: {  	s31 =	sshll.u32 s1, $0xD;
	s1 =	sshrl.u32 s1, $0x2  }
0xc0: {  	s3 =	sand.u32 $0x4000, s31;
	s1 =	sadd.s32 s1, s30  }
0xc1: {  	s0 =	sor.u32 s3, s0;
	s1 =	sshll.u32 s1, $0x11  }
0xc2: {  	s0 =	sor.u32 s1, s0  }
0xc3: {  	s0 =	sadd.s32 $0x8F2B, s0  }
0xc4: {  	[sflag:s0] =	ssyncadd.remote.s32 $0x1  }
0xc5: {  	_ =	sfence.sel $0xFFFF  }
0xc6: {  	[dreg:$0x0] =	wrdreg $0xFFFFFFFF;
	(pc) =	sbr.abs _section_cstart, $3  }
0xc7: {  	[dreg:$0x1] =	wrdreg $0xFFFFFFFF  }
0xc8: {  	_ =	task.clear_ibuf [dreg:s8], $0x2FFFF;
	_ =	strace $0x9FFFFFFF  }
0xc9: {  	(tm) =	ssettm $0x7FFFFFFF  }
tec
execute0_lowered:
.L_overlay_start_1:
0x0: {  	(tag) =	ssettag $0x1  }
0x1: {  	s0 =	stileid.u32;
	s1 =	srdreg.scid  }
0x2: {  	s1 =	sand.u32 $0x1, s1;
	s2 =	sshll.u32 s0, $0x1  }
0x3: {  	s1 =	sor.u32 s2, s1  }
0x4: {  	s2 =	smul.u32 $0xC0, s1;
	_ =	sdelay $0x1  }
0x5: {  	s3 =	rddreg [dreg:$0x0];
	s6 =	ssub.s32 $0x4080, s2  }
0x6: {  	s4 =	rddreg [dreg:$0x1];
	s31 =	smul.u32 $0x2AAB, s6  }
0x7: {  	s8 =	rddreg [dreg:$0x2]  }
0x8: {  	s5 =	simm.s32 $0x1;
	s10 =	simm.s32 $0x3;
	s7 =	sshrl.u32 s31, $0x1A  }
0x9: {  	s13 =	simm.s32 $0x0;
	s12 =	simm.s32 $0x0;
	s9 =	smul.u32 $0x1800, s7  }
.Ltmp0:
0xa: {  	s8 =	sadd.s32 $0x4E400, s8;
	s1 =	rddreg [dreg:$0x3];
	(pc) =	sbr.rel .LBB2_1-.Ltmp0, $4  }
0xb: {  	_ =	strace $0x80000047;
	p0 =	sne.s32 s6, s9;
	s9 =	simm.s32 $0x1  }
0xc: {  	[sflag:s5] =	ssyncpa.u1 $0x0;
	s6 =	simm.s32 $0x2;
	s9 =	simm.s32 @!p0 $0x0  }
0xd: {  	s11 =	smov.u32 s2;
	[sflag:s6] =	ssyncpa.u1 $0x0;
	s7 =	sadd.s32 s7, s9  }
0xe: {  	vm0 =	vmmov $0xffff;
	[sflag:s10] =	ssyncpa.u1 $0x0;
	s10 =	simm.s32 $0x0;
	s9 =	sadd.s32 $0x1, s7  }
.LBB2_4:
0xf: {  	v2 =	vnsel vm1, $0x0, v2  }
0x10: {  	vm1 =	vgt.s32 v0, $0x0;
	v2 =	vmin.u32 v2, $0x4056  }
0x11: {  	v0 =	vnsel vm1, $0x0, v0  }
0x12: {  	v0 =	vmin.u32 v0, $0x4056  }
0x13: {  	[tilespmem:s18], [sflag:$0x1] =	stream.indirect_vreg.gather [hbm4b:s3+s10], $0x1, v1, vm0, $0x4038;
	[tilespmem:$0x300] =	vst v63  }
0x14: {  	(ifvalue) =	ssetifvalue $0x7FFFFFFF  }
0x15: {  	[tilespmem:s15], [sflag:$0x1] =	stream.indirect_vreg.gather [hbm4b:s3+s10], $0x1, v2, vm0, $0x4038;
	[tilespmem:$0x300] =	vst v63  }
0x16: {  	s29 =	sadd.s32 $0x10, s15;
	(ifvalue) =	ssetifvalue $0x7FFFFFFF  }
0x17: {  	[tilespmem:s29], [sflag:$0x1] =	stream.indirect_vreg.gather [hbm4b:s3+s10], $0x1, v0, vm0, $0x4038;
	[tilespmem:$0x300] =	vst v63  }
0x18: {  	_ =	swait.ge [sflag:s5], $0xC0  }
0x19: {  	s30 =	sshrl.u32 s13, $0x3;
	[sflag:s5] =	ssyncset.done $0x0  }
0x1a: {  	s31 =	sand.u32 $0x7, s13;
	s15 =	sadd.s32 s8, s30;
	[sflag:s5] =	ssyncadd.s32 $0xFFFFFF40  }
0x1b: {  	[hbm4b:s15+s31] =	stream.linear.scatter [tilespmem:s14], [sflag:$0x3], $0xC0, $0x38;
	[tilespmem:$0x300] =	vst v63  }
.LBB2_5:
0x1c: {  	s15 =	sadd.s32 $0x1800, s11  }
0x1d: {  	p1 =	sgt.s32 s15, $0x407F  }
0x1e: {  	s15 =	smov.u32 @p1 s2;
	p1 =	sne.s32 s12, s9  }
.Ltmp1:
0x1f: {  	p0 =	slt.u32 s12, $0x2;
	(pc) =	sbr.rel @!p1 .LBB2_6-.Ltmp1, $4  }
0x20: {  	s14 =	simm.s32 @!p0 $0x3  }
0x21: {  	_ =	swait.ge @!p0 [sflag:s14], $0xC0  }
0x22: {  	s16 =	sadd.s32 $0x1, s12;
	s13 =	smov.u32 s11;
	[sflag:s14] =	ssyncset.done @!p0 $0x0  }
0x23: {  	s12 =	smov.u32 s16;
	s11 =	smov.u32 s15;
	[sflag:s14] =	ssyncadd.s32 @!p0 $0xFFFFFF40  }
.LBB2_1:
0x24: {  	p0 =	sge.u32 s12, s7  }
0x25: {  	s14 =	sxor.u32 @!p0 $0xFFFFFFFF, s12  }
0x26: {  	s14 =	sand.u32 @!p0 $0x1, s14  }
0x27: {  	s14 =	smul.u32 @!p0 $0x300, s14  }
0x28: {  	s31 =	sadd.s32 $0xFFFFFFFF, s12;
	s15 =	sshrl.u32 @!p0 s11, $0x3  }
0x29: {  	s16 =	sand.u32 @!p0 $0x7, s11;
	s15 =	sadd.s32 @!p0 s4, s15;
	s14 =	sshrl.u32 @!p0 s14, $0x2  }
0x2a: {  	[tilespmem:s14], [sflag:$0x2] =	stream.linear.gather @!p0 [hbm4b:s15+s16], $0xC0, $0x38;
	[tilespmem:$0x300] =	vst v63  }
0x2b: {  	p0 =	sge.u32 s31, s7  }
.Ltmp2:
0x2c: {  	_ = 	snop;
	(pc) =	sbr.rel @p0 .LBB2_5-.Ltmp2, $1  }
0x2d: {  	_ =	sdelay $0x3  }
0x2e: {  	s14 =	sand.u32 $0x1, s12  }
0x2f: {  	_ =	swait.ge [sflag:s6], $0xC0;
	p0 =	seq.s32 s14, $0x1;
	s14 =	simm.s32 $0xC0  }
0x30: {  	[sflag:s6] =	ssyncset.done $0x0;
	s14 =	simm.s32 @!p0 $0x0  }
0x31: {  	[sflag:s6] =	ssyncadd.s32 $0xFFFFFF40;
	(ifvalue) =	ssetifvalue $0x7FFFFFFF;
	v0 =	vld.msk [tilespmem:s14+$0x0 ss:$0x1], $0xffff;
	_ =	sdelay $0x4  }
0x32: {  	s15 =	sadd.s32 $0x10, s14;
	vm1 =	vgt.s32 v0, $0x0  }
0x33: {  	v2 =	vld.msk [tilespmem:s15+$0x0 ss:$0x1], $0xffff;
	v1 =	vnsel vm1, $0x0, v0  }
0x34: {  	v1 =	vmin.u32 v1, $0x4056;
	_ =	sdelay $0x2  }
0x35: {  	s17 =	simm.s32 $0x20;
	s14 =	sadd.s32 $0x180, s14;
	s16 =	sadd.s32 $0x10, s15  }
0x36: {  	s15 =	sadd.s32 $0x10, s14;
	s18 =	smov.u32 s14;
	v0 =	vld.msk [tilespmem:s16+$0x0 ss:$0x1], $0xffff;
	vm1 =	vgt.s32 v2, $0x0;
	(ifvalue) =	ssetifvalue $0x7FFFFFFF  }
.LBB2_3:
0x37: {  	[tilespmem:s18], [sflag:$0x1] =	stream.indirect_vreg.gather [hbm4b:s3+s10], $0x1, v1, vm0, $0x4038;
	[tilespmem:$0x300] =	vst v63  }
0x38: {  	s17 =	sadd.s32 $0x10, s17  }
0x39: {  	v2 =	vnsel vm1, $0x0, v2;
	p0 =	slt.u32 s17, $0xB0  }
.Ltmp3:
0x3a: {  	s18 =	smov.u32 s15;
	v1 =	vmin.u32 v2, $0x4056;
	(pc) =	sbr.rel @p0 .LBB2_3-.Ltmp3, $3  }
0x3b: {  	_ =	sdelay $0x1  }
0x3c: {  	s16 =	sadd.s32 $0x10, s16  }
0x3d: {  	vm1 =	vgt.s32 v0, $0x0;
	s15 =	sadd.s32 $0x10, s15;
	v2 =	vmov v0;
	(ifvalue) =	ssetifvalue $0x7FFFFFFF;
	v0 =	vld.msk [tilespmem:s16+$0x0 ss:$0x1], $0xffff  }
.Ltmp4:
0x3e: {  	_ = 	snop;
	(pc) =	sbr.rel .LBB2_4-.Ltmp4, $1  }
0x3f: {  	_ =	sdelay $0x3  }
.LBB2_6:
0x40: {  	_ =	sfence.sel $0x180000  }
0x41: {  	s2 =	simm.s32 $0x2;
	[bflag:$0x0] =	sbarrier.arrive $0xFFFF  }
0x42: {  	s30 =	simm.s32 $0x3;
	[sflag:s2] =	ssyncpa.u1 $0x1  }
0x43: {  	s31 =	simm.s32 $0x1;
	[sflag:s30] =	ssyncpa.u1 $0x1  }
0x44: {  	[sflag:s31] =	ssyncpa.u1 $0x1  }
0x45: {  	p0 =	sne.s32 s0, $0x0;
	_ =	strace $0x90000047  }
0x46: {  	s0 =	sadd.s32 @!p0 $0x100000, s1;
	[bflag:$0x2] =	sbarrier.arrive $0xFFFF  }
0x47: {  	[sflag:s0] =	ssyncadd.tile.s32 @!p0 $0x1;
	_ =	shalt  }
.Lfunc_end2:
_tile_overlayer_lowered:
.L_overlay_start_2:
0x48: {  	(tag) =	ssettag $0x2  }
0x49: {  	s0 =	rddreg [dreg:$0x0];
	s2 =	stileid.u32  }
0x4a: {  	s1 =	rddreg [dreg:$0x1];
	p0 =	sne.s32 s2, $0x0  }
0x4b: {  	s3 =	rddreg [dreg:$0x2];
	[bflag:$0x3] =	sbarrier.arrive $0xFFFF;
	s2 =	simm.s32 @!p0 $0x1C01  }
0x4c: {  	[timem:s3], [sflag:s2] =	dma.local @!p0 [hbm:s0], s1  }
0x4d: {  	s0 =	simm.s32 @!p0 $0x1  }
0x4e: {  	_ =	swait.ge @!p0 [sflag:s0], s1  }
0x4f: {  	s1 =	ssub.s32 @!p0 $0x0, s1;
	[sflag:s0] =	ssyncset.done @!p0 $0x0  }
0x50: {  	[sflag:s0] =	ssyncadd.s32 @!p0 s1  }
0x51: {  	[bflag:$0x3] =	sbarrier.arrive $0xFFFF  }
0x52: {  	_ =	shalt  }

// kernel: gather_offload_async_start.2
scs
__scs_entry_jumppad:
0x0: {  	(pc) =	sbr.rel $0x88, $3  }
0x1: {  	(tag) =	ssettag $0x0;
	lr =	simm.s32 $0x1  }
0x2: {  	[smem:$0x3F79] =	sst lr;
	_ =	strace $0xD0000000  }
0x3: {  	_ = 	snop  }
0x4: {  	_ = 	snop  }
0x5: {  	_ = 	snop  }
0x6: {  	_ = 	snop  }
0x7: {  	_ = 	snop  }
__scs_overlays_trampoline_lowered:
0x8: {  	[smem:$0x3F88] =	sst s0  }
0x9: {  	[smem:$0x3F89] =	sst s1  }
0xa: {  	[smem:$0x3F8A] =	sst s2  }
0xb: {  	[smem:$0x3F8B] =	sst s3  }
0xc: {  	[smem:$0x3F8C] =	sst s4  }
0xd: {  	[smem:$0x3F8D] =	sst s5  }
0xe: {  	[smem:$0x3F8E] =	sst s6  }
0xf: {  	[smem:$0x3F8F] =	sst s7  }
0x10: {  	[smem:$0x3F90] =	sst s8  }
0x11: {  	[smem:$0x3F91] =	sst s9;
	s0 =	simm.s32 @!p0 $0x0  }
0x12: {  	s1 =	sld [smem:$0x3F77];
	s0 =	simm.s32 @p0 $0x1  }
0x13: {  	[smem:$0x3F92] =	sst s0;
	s0 =	simm.s32 @!p1 $0x0  }
0x14: {  	s2 =	sld [smem:$0x3F76];
	s0 =	simm.s32 @p1 $0x1  }
0x15: {  	[smem:$0x3F93] =	sst s0;
	s0 =	simm.s32 @!p2 $0x0  }
0x16: {  	s3 =	sld [smem:$0x3FDB];
	s0 =	simm.s32 @p2 $0x1  }
0x17: {  	s4 =	simm.s32 $0x1BF5;
	[smem:$0x3F95] =	sst s0  }
0x18: {  	s0 =	sld [smem:$0x3F78];
	_ =	swait.ge [sflag:s4], $0x0  }
0x19: {  	s7 =	sld [smem:$0x3F79]  }
0x1a: {  	s8 =	sadd.s32 $0xFFFFE003, lr  }
0x1b: {  	s9 =	sadd.s32 $0xFFFFFEF7, lr;
	s5 =	simm.s32 $0xFFFFFFFF;
	p2 =	slt.u32 s8, $0xFFFFF086  }
0x1c: {  	p1 =	slt.u32 s9, $0xF7A;
	s5 =	simm.s32 @!p2 $0x0  }
0x1d: {  	s5 =	simm.s32 @p1 $0x1;
	p0 =	seq.s32 s7, s2  }
0x1e: {  	s7 =	smul.u32 @!p0 $0xF7A, s2;
	p2 =	seq.s32 @!p0 s5, $0x0  }
0x1f: {  	s9 =	smul.u32 $0xF7A, s1;
	s8 =	simm.s32 @!p0 $0x1BF5;
	p2 =	por !p2, p0  }
0x20: {  	[sflag:s8] =	ssyncset.s32 @!p0 $0xFFFFF086;
	s6 =	sadd.s32 @!p0 s3, s7;
	s7 =	simm.s32 @!p0 $0x108  }
0x21: {  	s3 =	sadd.s32 s3, s9;
	s6 =	sadd.s32 @!p0 $0x88, s6;
	s7 =	simm.s32 @p2 $0x1082  }
0x22: {  	[simem:s7], [sflag:s8] =	dma.local @!p0 [hbm:s6], $0xF7A  }
0x23: {  	s9 =	sor.u32 $0xD0000000, s2;
	s6 =	simm.s32 $0x108;
	_ =	swait.ge @!p0 [sflag:s8], $0x0  }
0x24: {  	s3 =	sadd.s32 $0x88, s3;
	s6 =	simm.s32 @!p1 $0x1082;
	[sflag:s4] =	ssyncset.s32 $0xFFFFF086  }
0x25: {  	[simem:s6], [sflag:s4] =	dma.local [hbm:s3], $0xF7A  }
0x26: {  	[smem:$0x3F79] =	sst s1;
	(tag) =	ssettag s2;
	_ =	strace s9  }
0x27: {  	s1 =	sld [smem:$0x3F89]  }
0x28: {  	s2 =	sld [smem:$0x3F8A]  }
0x29: {  	s4 =	sld [smem:$0x3F8C]  }
0x2a: {  	p0 =	seq.s32 s5, $0x0;
	s5 =	sld [smem:$0x3F8D]  }
0x2b: {  	s6 =	sld [smem:$0x3F8E]  }
0x2c: {  	s7 =	sld [smem:$0x3F8F]  }
0x2d: {  	s3 =	simm.s32 $0x108;
	s8 =	sld [smem:$0x3F90]  }
0x2e: {  	s3 =	simm.s32 @!p0 $0x1082;
	s9 =	sld [smem:$0x3F91]  }
0x2f: {  	lr =	sadd.s32 s0, s3;
	s0 =	sld [smem:$0x3F88]  }
0x30: {  	s3 =	sld [smem:$0x3F8B]  }
0x31: {  	[smem:$0x3F94] =	sst s10  }
0x32: {  	s10 =	sld [smem:$0x3F92];
	_ =	sdelay $0x3  }
0x33: {  	p0 =	seq.s32 s10, $0x1;
	s10 =	sld [smem:$0x3F94];
	_ =	sdelay $0x3  }
0x34: {  	[smem:$0x3F94] =	sst s10  }
0x35: {  	s10 =	sld [smem:$0x3F93];
	_ =	sdelay $0x3  }
0x36: {  	p1 =	seq.s32 s10, $0x1;
	s10 =	sld [smem:$0x3F94];
	_ =	sdelay $0x3  }
0x37: {  	[smem:$0x3F94] =	sst s10  }
0x38: {  	s10 =	sld [smem:$0x3F95]  }
0x39: {  	_ = 	snop;
	(pc) =	sbr.ind lr, $3  }
0x3a: {  	_ = 	snop  }
0x3b: {  	_ = 	snop  }
0x3c: {  	p2 =	seq.s32 s10, $0x1;
	s10 =	sld [smem:$0x3F94]  }
0x3d: {  	_ =	shalt  }
0x3e: {  	_ =	shalt  }
0x3f: {  	_ =	shalt  }
0x40: {  	_ =	shalt  }
0x41: {  	_ =	shalt  }
0x42: {  	_ =	shalt  }
0x43: {  	_ =	shalt  }
0x44: {  	_ =	shalt  }
0x45: {  	_ =	shalt  }
0x46: {  	_ =	shalt  }
0x47: {  	_ =	shalt  }
0x48: {  	_ =	shalt  }
0x49: {  	_ =	shalt  }
0x4a: {  	_ =	shalt  }
0x4b: {  	_ =	shalt  }
0x4c: {  	_ =	shalt  }
0x4d: {  	_ =	shalt  }
0x4e: {  	_ =	shalt  }
0x4f: {  	_ =	shalt  }
0x50: {  	_ =	shalt  }
0x51: {  	_ =	shalt  }
0x52: {  	_ =	shalt  }
0x53: {  	_ =	shalt  }
0x54: {  	_ =	shalt  }
0x55: {  	_ =	shalt  }
0x56: {  	_ =	shalt  }
0x57: {  	_ =	shalt  }
0x58: {  	_ =	shalt  }
0x59: {  	_ =	shalt  }
0x5a: {  	_ =	shalt  }
0x5b: {  	_ =	shalt  }
0x5c: {  	_ =	shalt  }
0x5d: {  	_ =	shalt  }
0x5e: {  	_ =	shalt  }
0x5f: {  	_ =	shalt  }
0x60: {  	_ =	shalt  }
0x61: {  	_ =	shalt  }
0x62: {  	_ =	shalt  }
0x63: {  	_ =	shalt  }
0x64: {  	_ =	shalt  }
0x65: {  	_ =	shalt  }
0x66: {  	_ =	shalt  }
0x67: {  	_ =	shalt  }
0x68: {  	_ =	shalt  }
0x69: {  	_ =	shalt  }
0x6a: {  	_ =	shalt  }
0x6b: {  	_ =	shalt  }
0x6c: {  	_ =	shalt  }
0x6d: {  	_ =	shalt  }
0x6e: {  	_ =	shalt  }
0x6f: {  	_ =	shalt  }
0x70: {  	_ =	shalt  }
0x71: {  	_ =	shalt  }
0x72: {  	_ =	shalt  }
0x73: {  	_ =	shalt  }
0x74: {  	_ =	shalt  }
0x75: {  	_ =	shalt  }
0x76: {  	_ =	shalt  }
0x77: {  	_ =	shalt  }
0x78: {  	_ =	shalt  }
0x79: {  	_ =	shalt  }
0x7a: {  	_ =	shalt  }
0x7b: {  	_ =	shalt  }
0x7c: {  	_ =	shalt  }
0x7d: {  	_ =	shalt  }
0x7e: {  	_ =	shalt  }
0x7f: {  	_ =	shalt  }
0x80: {  	_ =	shalt  }
0x81: {  	_ =	shalt  }
0x82: {  	_ =	shalt  }
0x83: {  	_ =	shalt  }
0x84: {  	_ =	shalt  }
0x85: {  	_ =	shalt  }
0x86: {  	_ =	shalt  }
0x87: {  	_ =	shalt  }
.Lfunc_end0:
.L_simem_size_0:
called_computation.2_lowered:
.L_overlay_start_0:
0x88: {  	s2 =	sld [smem:$0x3FD9]  }
0x89: {  	s3 =	sld [smem:$0x3FFE];
	_ =	sdelay $0x1  }
0x8a: {  	s1 =	srdreg.scid  }
0x8b: {  	s0 =	sand.u32 $0x1, s1  }
0x8c: {  	s15 =	sshll.u32 s0, $0xA;
	s2 =	sadd.s32 s3, s2  }
0x8d: {  	s2 =	sadd.s32 s2, s15  }
0x8e: {  	[smem:$0x3FA0] =	sst s2  }
0x8f: {  	_ = 	snop  }
0x90: {  	s16 =	sld [smem:$0x3FD0];
	_ =	sdelay $0x2  }
0x91: {  	s4 =	simm.s32 $0xC;
	s5 =	simm.s32 $0x10;
	s2 =	sld [smem:$0x3FC6]  }
0x92: {  	[smem:s5], [sflag:s4] =	dma.local [hbm:s16], $0x1  }
0x93: {  	_ =	swait.eq [sflag:s4], $0x1  }
0x94: {  	[sflag:s4] =	ssyncset.done $0x0  }
0x95: {  	[sflag:s4] =	ssyncadd.s32 $0xFFFFFFFF  }
0x96: {  	s17 =	sld [smem:$0x10];
	(tm) =	ssettm $0x1  }
0x97: {  	s18 =	sld [smem:$0x3FFB];
	_ =	sdelay $0x3  }
0x98: {  	_ =	strace s18  }
0x99: {  	s3 =	sld [smem:$0x3FFC];
	_ =	sdelay $0x3  }
0x9a: {  	_ =	strace s3  }
0x9b: {  	s3 =	sld [smem:$0x3FFD];
	_ =	sdelay $0x3  }
0x9c: {  	_ =	strace s3  }
0x9d: {  	_ =	strace $0x8FFFFFFF  }
0x9e: {  	s19 =	sld [smem:$0x3FDB];
	_ =	sdelay $0x1  }
0x9f: {  	s20 =	simm.s32 $_scs_section_size  }
0xa0: {  	s6 =	simm.s32 $_size__tile_overlayer_lowered;
	s7 =	simm.s32 $_tile_overlayer_lowered  }
0xa1: {  	s8 =	simm.s32 $0x1BFF;
	s21 =	sshll.u32 s7, $0x1;
	s5 =	sadd.s32 s20, s19  }
0xa2: {  	s22 =	simm.s32 $0x0;
	s6 =	sshll.u32 s6, $0x1;
	s7 =	sadd.s32 s21, s5  }
0xa3: {  	[timem:s22], [sflag:s8] =	dma.local [hbm:s7], s6  }
0xa4: {  	_ =	swait.ge [sflag:s8], s6  }
0xa5: {  	s6 =	ssub.s32 $0x0, s6;
	[sflag:s8] =	ssyncset.done $0x0  }
0xa6: {  	[sflag:s8] =	ssyncadd.s32 s6;
	_ =	sdelay $0x1  }
0xa7: {  	s23 =	simm.s32 $0x1B8B  }
0xa8: {  	_ =	swait.ge [sflag:s23], $0x1  }
0xa9: {  	[sflag:s23] =	ssyncset.done $0x0  }
0xaa: {  	[sflag:s23] =	ssyncadd.s32 $0xFFFFFFFF  }
0xab: {  	s6 =	sld [smem:$0x0]  }
0xac: {  	s7 =	sand.u32 $0xFFFFFFFE, s1  }
0xad: {  	p0 =	sne.s32 s1, s7  }
0xae: {  	s7 =	sshll.u32 @p0 s7, $0xE  }
0xaf: {  	s7 =	sadd.s32 @p0 $0x11B8D, s7;
	s8 =	sshll.u32 @p0 s6, $0x11  }
0xb0: {  	s7 =	sor.u32 @p0 s8, s7  }
0xb1: {  	[sflag:s7] =	ssyncadd.remote.s32 @p0 $0x1;
	_ =	sdelay $0x1  }
0xb2: {  	s7 =	simm.s32 @p0 $0x1B8D  }
0xb3: {  	_ =	swait.eq @p0 [sflag:s7], $0x1  }
0xb4: {  	[sflag:s7] =	ssyncadd.s32 @p0 $0xFFFFFFFF  }
0xb5: {  	s8 =	sshll.u32 @!p0 s1, $0xE  }
0xb6: {  	s8 =	sor.u32 @!p0 $0x4000, s8;
	s7 =	simm.s32 @!p0 $0x1B8D  }
0xb7: {  	s6 =	sshll.u32 @!p0 s6, $0x11;
	s8 =	sadd.s32 @!p0 $0x11B8D, s8;
	_ =	swait.eq @!p0 [sflag:s7], $0x1  }
0xb8: {  	s6 =	sor.u32 @!p0 s6, s8;
	[sflag:s7] =	ssyncadd.s32 @!p0 $0xFFFFFFFF  }
0xb9: {  	s25 =	simm.s32 $0x1B8E;
	s24 =	sld [smem:$0x3FFE];
	[sflag:s6] =	ssyncadd.remote.s32 @!p0 $0x1  }
0xba: {  	s26 =	simm.s32 $execute0_lowered;
	[smem:$0x3FD2] =	sst s25  }
0xbb: {  	s7 =	sshll.u32 s26, $0x1;
	_ =	strace $0x80000049;
	[dreg:$0x1] =	wrdreg $0xFFFFFFFF  }
0xbc: {  	s28 =	simm.s32 $_size_execute0_lowered;
	s5 =	sadd.s32 s5, s7;
	[dreg:$0x0] =	wrdreg $0x0  }
0xbd: {  	s7 =	sshll.u32 s28, $0x1;
	[dreg:$0x2] =	wrdreg s5  }
0xbe: {  	[dreg:$0x3] =	wrdreg s7  }
0xbf: {  	[dreg:$0x4] =	wrdreg $0xC0  }
0xc0: {  	_ =	task [dreg:s22], $0x5FFFF  }
0xc1: {  	[dreg:$0x1] =	wrdreg $0xFFFFFFFF  }
0xc2: {  	[dreg:$0x0] =	wrdreg $0x60  }
0xc3: {  	[dreg:$0x2] =	wrdreg s2  }
0xc4: {  	[dreg:$0x3] =	wrdreg s17  }
0xc5: {  	[dreg:$0x4] =	wrdreg s24  }
0xc6: {  	[dreg:$0x5] =	wrdreg $0xB  }
0xc7: {  	_ =	task.clear_ibuf [dreg:s22], $0x6FFFF;
	_ =	strace $0x90000049  }
0xc8: {  	s29 =	simm.s32 $0xB;
	_ =	strace $0x8000004B  }
0xc9: {  	_ =	swait.ge [sflag:s29], $0x1  }
0xca: {  	[sflag:s29] =	ssyncadd.s32 $0xFFFFFFFF  }
0xcb: {  	_ =	strace $0x9000004B  }
0xcc: {  	_ =	sfence  }
0xcd: {  	s30 =	sld [smem:$0x0];
	_ =	sdelay $0x2  }
0xce: {  	s31 =	sshll.u32 s1, $0xD;
	s1 =	sshrl.u32 s1, $0x2  }
0xcf: {  	s4 =	sand.u32 $0x4000, s31;
	s1 =	sadd.s32 s1, s30  }
0xd0: {  	s0 =	sor.u32 s4, s0;
	s1 =	sshll.u32 s1, $0x11  }
0xd1: {  	s0 =	sor.u32 s1, s0  }
0xd2: {  	s0 =	sadd.s32 $0x8F2B, s0  }
0xd3: {  	[sflag:s0] =	ssyncadd.remote.s32 $0x1  }
0xd4: {  	_ =	sfence.sel $0xFFFF  }
0xd5: {  	[dreg:$0x0] =	wrdreg $0xFFFFFFFF;
	(pc) =	sbr.abs _section_cstart, $3  }
0xd6: {  	[dreg:$0x1] =	wrdreg $0xFFFFFFFF  }
0xd7: {  	_ =	task.clear_ibuf [dreg:s22], $0x2FFFF;
	_ =	strace $0x9FFFFFFF  }
0xd8: {  	(tm) =	ssettm $0x7FFFFFFF  }
0xd9: {  	_ =	shalt  }
tec
execute0_lowered:
.L_overlay_start_1:
0x0: {  	(tag) =	ssettag $0x1  }
0x1: {  	s0 =	stileid.u32;
	s1 =	srdreg.scid  }
0x2: {  	s1 =	sand.u32 $0x1, s1;
	s2 =	sshll.u32 s0, $0x1  }
0x3: {  	s1 =	sor.u32 s2, s1  }
0x4: {  	s2 =	smul.u32 $0xC0, s1;
	_ =	sdelay $0x1  }
0x5: {  	s3 =	rddreg [dreg:$0x0];
	s6 =	ssub.s32 $0x4080, s2  }
0x6: {  	s4 =	rddreg [dreg:$0x1];
	s31 =	smul.u32 $0x2AAB, s6  }
0x7: {  	s8 =	rddreg [dreg:$0x2]  }
0x8: {  	s5 =	simm.s32 $0x1;
	s10 =	simm.s32 $0x3;
	s7 =	sshrl.u32 s31, $0x1A  }
0x9: {  	s13 =	simm.s32 $0x0;
	s12 =	simm.s32 $0x0;
	s9 =	smul.u32 $0x1800, s7  }
.Ltmp0:
0xa: {  	s8 =	sadd.s32 $0x4EE00, s8;
	s1 =	rddreg [dreg:$0x3];
	(pc) =	sbr.rel .LBB2_1-.Ltmp0, $4  }
0xb: {  	_ =	strace $0x8000004A;
	p0 =	sne.s32 s6, s9;
	s9 =	simm.s32 $0x1  }
0xc: {  	[sflag:s5] =	ssyncpa.u1 $0x0;
	s6 =	simm.s32 $0x2;
	s9 =	simm.s32 @!p0 $0x0  }
0xd: {  	s11 =	smov.u32 s2;
	[sflag:s6] =	ssyncpa.u1 $0x0;
	s7 =	sadd.s32 s7, s9  }
0xe: {  	vm0 =	vmmov $0xffff;
	[sflag:s10] =	ssyncpa.u1 $0x0;
	s10 =	simm.s32 $0x0;
	s9 =	sadd.s32 $0x1, s7  }
.LBB2_4:
0xf: {  	v2 =	vnsel vm1, $0x0, v2  }
0x10: {  	vm1 =	vgt.s32 v0, $0x0;
	v2 =	vmin.u32 v2, $0x4056  }
0x11: {  	v0 =	vnsel vm1, $0x0, v0  }
0x12: {  	v0 =	vmin.u32 v0, $0x4056  }
0x13: {  	[tilespmem:s18], [sflag:$0x1] =	stream.indirect_vreg.gather [hbm4b:s3+s10], $0x1, v1, vm0, $0x4038;
	[tilespmem:$0x300] =	vst v63  }
0x14: {  	(ifvalue) =	ssetifvalue $0x7FFFFFFF  }
0x15: {  	[tilespmem:s15], [sflag:$0x1] =	stream.indirect_vreg.gather [hbm4b:s3+s10], $0x1, v2, vm0, $0x4038;
	[tilespmem:$0x300] =	vst v63  }
0x16: {  	s29 =	sadd.s32 $0x10, s15;
	(ifvalue) =	ssetifvalue $0x7FFFFFFF  }
0x17: {  	[tilespmem:s29], [sflag:$0x1] =	stream.indirect_vreg.gather [hbm4b:s3+s10], $0x1, v0, vm0, $0x4038;
	[tilespmem:$0x300] =	vst v63  }
0x18: {  	_ =	swait.ge [sflag:s5], $0xC0  }
0x19: {  	s30 =	sshrl.u32 s13, $0x3;
	[sflag:s5] =	ssyncset.done $0x0  }
0x1a: {  	s31 =	sand.u32 $0x7, s13;
	s15 =	sadd.s32 s8, s30;
	[sflag:s5] =	ssyncadd.s32 $0xFFFFFF40  }
0x1b: {  	[hbm4b:s15+s31] =	stream.linear.scatter [tilespmem:s14], [sflag:$0x3], $0xC0, $0x38;
	[tilespmem:$0x300] =	vst v63  }
.LBB2_5:
0x1c: {  	s15 =	sadd.s32 $0x1800, s11  }
0x1d: {  	p1 =	sgt.s32 s15, $0x407F  }
0x1e: {  	s15 =	smov.u32 @p1 s2;
	p1 =	sne.s32 s12, s9  }
.Ltmp1:
0x1f: {  	p0 =	slt.u32 s12, $0x2;
	(pc) =	sbr.rel @!p1 .LBB2_6-.Ltmp1, $4  }
0x20: {  	s14 =	simm.s32 @!p0 $0x3  }
0x21: {  	_ =	swait.ge @!p0 [sflag:s14], $0xC0  }
0x22: {  	s16 =	sadd.s32 $0x1, s12;
	s13 =	smov.u32 s11;
	[sflag:s14] =	ssyncset.done @!p0 $0x0  }
0x23: {  	s12 =	smov.u32 s16;
	s11 =	smov.u32 s15;
	[sflag:s14] =	ssyncadd.s32 @!p0 $0xFFFFFF40  }
.LBB2_1:
0x24: {  	p0 =	sge.u32 s12, s7  }
0x25: {  	s14 =	sxor.u32 @!p0 $0xFFFFFFFF, s12  }
0x26: {  	s14 =	sand.u32 @!p0 $0x1, s14  }
0x27: {  	s14 =	smul.u32 @!p0 $0x300, s14  }
0x28: {  	s31 =	sadd.s32 $0xFFFFFFFF, s12;
	s15 =	sshrl.u32 @!p0 s11, $0x3  }
0x29: {  	s16 =	sand.u32 @!p0 $0x7, s11;
	s15 =	sadd.s32 @!p0 s4, s15;
	s14 =	sshrl.u32 @!p0 s14, $0x2  }
0x2a: {  	[tilespmem:s14], [sflag:$0x2] =	stream.linear.gather @!p0 [hbm4b:s15+s16], $0xC0, $0x38;
	[tilespmem:$0x300] =	vst v63  }
0x2b: {  	p0 =	sge.u32 s31, s7  }
.Ltmp2:
0x2c: {  	_ = 	snop;
	(pc) =	sbr.rel @p0 .LBB2_5-.Ltmp2, $1  }
0x2d: {  	_ =	sdelay $0x3  }
0x2e: {  	s14 =	sand.u32 $0x1, s12  }
0x2f: {  	_ =	swait.ge [sflag:s6], $0xC0;
	p0 =	seq.s32 s14, $0x1;
	s14 =	simm.s32 $0xC0  }
0x30: {  	[sflag:s6] =	ssyncset.done $0x0;
	s14 =	simm.s32 @!p0 $0x0  }
0x31: {  	[sflag:s6] =	ssyncadd.s32 $0xFFFFFF40;
	(ifvalue) =	ssetifvalue $0x7FFFFFFF;
	v0 =	vld.msk [tilespmem:s14+$0x0 ss:$0x1], $0xffff;
	_ =	sdelay $0x4  }
0x32: {  	s15 =	sadd.s32 $0x10, s14;
	vm1 =	vgt.s32 v0, $0x0  }
0x33: {  	v2 =	vld.msk [tilespmem:s15+$0x0 ss:$0x1], $0xffff;
	v1 =	vnsel vm1, $0x0, v0  }
0x34: {  	v1 =	vmin.u32 v1, $0x4056;
	_ =	sdelay $0x2  }
0x35: {  	s17 =	simm.s32 $0x20;
	s14 =	sadd.s32 $0x180, s14;
	s16 =	sadd.s32 $0x10, s15  }
0x36: {  	s15 =	sadd.s32 $0x10, s14;
	s18 =	smov.u32 s14;
	v0 =	vld.msk [tilespmem:s16+$0x0 ss:$0x1], $0xffff;
	vm1 =	vgt.s32 v2, $0x0;
	(ifvalue) =	ssetifvalue $0x7FFFFFFF  }
.LBB2_3:
0x37: {  	[tilespmem:s18], [sflag:$0x1] =	stream.indirect_vreg.gather [hbm4b:s3+s10], $0x1, v1, vm0, $0x4038;
	[tilespmem:$0x300] =	vst v63  }
0x38: {  	s17 =	sadd.s32 $0x10, s17  }
0x39: {  	v2 =	vnsel vm1, $0x0, v2;
	p0 =	slt.u32 s17, $0xB0  }
.Ltmp3:
0x3a: {  	s18 =	smov.u32 s15;
	v1 =	vmin.u32 v2, $0x4056;
	(pc) =	sbr.rel @p0 .LBB2_3-.Ltmp3, $3  }
0x3b: {  	_ =	sdelay $0x1  }
0x3c: {  	s16 =	sadd.s32 $0x10, s16  }
0x3d: {  	vm1 =	vgt.s32 v0, $0x0;
	s15 =	sadd.s32 $0x10, s15;
	v2 =	vmov v0;
	(ifvalue) =	ssetifvalue $0x7FFFFFFF;
	v0 =	vld.msk [tilespmem:s16+$0x0 ss:$0x1], $0xffff  }
.Ltmp4:
0x3e: {  	_ = 	snop;
	(pc) =	sbr.rel .LBB2_4-.Ltmp4, $1  }
0x3f: {  	_ =	sdelay $0x3  }
.LBB2_6:
0x40: {  	_ =	sfence.sel $0x180000  }
0x41: {  	s2 =	simm.s32 $0x2;
	[bflag:$0x0] =	sbarrier.arrive $0xFFFF  }
0x42: {  	s30 =	simm.s32 $0x3;
	[sflag:s2] =	ssyncpa.u1 $0x1  }
0x43: {  	s31 =	simm.s32 $0x1;
	[sflag:s30] =	ssyncpa.u1 $0x1  }
0x44: {  	[sflag:s31] =	ssyncpa.u1 $0x1  }
0x45: {  	p0 =	sne.s32 s0, $0x0;
	_ =	strace $0x9000004A  }
0x46: {  	s0 =	sadd.s32 @!p0 $0x100000, s1;
	[bflag:$0x2] =	sbarrier.arrive $0xFFFF  }
0x47: {  	[sflag:s0] =	ssyncadd.tile.s32 @!p0 $0x1;
	_ =	shalt  }
.Lfunc_end2:
_tile_overlayer_lowered:
.L_overlay_start_2:
0x48: {  	(tag) =	ssettag $0x2  }
0x49: {  	s0 =	rddreg [dreg:$0x0];
	s2 =	stileid.u32  }
0x4a: {  	s1 =	rddreg [dreg:$0x1];
	p0 =	sne.s32 s2, $0x0  }
0x4b: {  	s3 =	rddreg [dreg:$0x2];
	[bflag:$0x3] =	sbarrier.arrive $0xFFFF;
	s2 =	simm.s32 @!p0 $0x1C01  }
0x4c: {  	[timem:s3], [sflag:s2] =	dma.local @!p0 [hbm:s0], s1  }
0x4d: {  	s0 =	simm.s32 @!p0 $0x1  }
0x4e: {  	_ =	swait.ge @!p0 [sflag:s0], s1  }
0x4f: {  	s1 =	ssub.s32 @!p0 $0x0, s1;
	[sflag:s0] =	ssyncset.done @!p0 $0x0  }
0x50: {  	[sflag:s0] =	ssyncadd.s32 @!p0 s1  }
0x51: {  	[bflag:$0x3] =	sbarrier.arrive $0xFFFF  }
0x52: {  	_ =	shalt  }

// kernel: gather_offload_async_start
scs
__scs_entry_jumppad:
0x0: {  	(pc) =	sbr.rel $0x88, $3  }
0x1: {  	(tag) =	ssettag $0x0;
	lr =	simm.s32 $0x1  }
0x2: {  	[smem:$0x3F79] =	sst lr;
	_ =	strace $0xD0000000  }
0x3: {  	_ = 	snop  }
0x4: {  	_ = 	snop  }
0x5: {  	_ = 	snop  }
0x6: {  	_ = 	snop  }
0x7: {  	_ = 	snop  }
__scs_overlays_trampoline_lowered:
0x8: {  	[smem:$0x3F88] =	sst s0  }
0x9: {  	[smem:$0x3F89] =	sst s1  }
0xa: {  	[smem:$0x3F8A] =	sst s2  }
0xb: {  	[smem:$0x3F8B] =	sst s3  }
0xc: {  	[smem:$0x3F8C] =	sst s4  }
0xd: {  	[smem:$0x3F8D] =	sst s5  }
0xe: {  	[smem:$0x3F8E] =	sst s6  }
0xf: {  	[smem:$0x3F8F] =	sst s7  }
0x10: {  	[smem:$0x3F90] =	sst s8  }
0x11: {  	[smem:$0x3F91] =	sst s9;
	s0 =	simm.s32 @!p0 $0x0  }
0x12: {  	s1 =	sld [smem:$0x3F77];
	s0 =	simm.s32 @p0 $0x1  }
0x13: {  	[smem:$0x3F92] =	sst s0;
	s0 =	simm.s32 @!p1 $0x0  }
0x14: {  	s2 =	sld [smem:$0x3F76];
	s0 =	simm.s32 @p1 $0x1  }
0x15: {  	[smem:$0x3F93] =	sst s0;
	s0 =	simm.s32 @!p2 $0x0  }
0x16: {  	s3 =	sld [smem:$0x3FDB];
	s0 =	simm.s32 @p2 $0x1  }
0x17: {  	s4 =	simm.s32 $0x1BF5;
	[smem:$0x3F95] =	sst s0  }
0x18: {  	s0 =	sld [smem:$0x3F78];
	_ =	swait.ge [sflag:s4], $0x0  }
0x19: {  	s7 =	sld [smem:$0x3F79]  }
0x1a: {  	s8 =	sadd.s32 $0xFFFFE003, lr  }
0x1b: {  	s9 =	sadd.s32 $0xFFFFFEF7, lr;
	s5 =	simm.s32 $0xFFFFFFFF;
	p2 =	slt.u32 s8, $0xFFFFF086  }
0x1c: {  	p1 =	slt.u32 s9, $0xF7A;
	s5 =	simm.s32 @!p2 $0x0  }
0x1d: {  	s5 =	simm.s32 @p1 $0x1;
	p0 =	seq.s32 s7, s2  }
0x1e: {  	s7 =	smul.u32 @!p0 $0xF7A, s2;
	p2 =	seq.s32 @!p0 s5, $0x0  }
0x1f: {  	s9 =	smul.u32 $0xF7A, s1;
	s8 =	simm.s32 @!p0 $0x1BF5;
	p2 =	por !p2, p0  }
0x20: {  	[sflag:s8] =	ssyncset.s32 @!p0 $0xFFFFF086;
	s6 =	sadd.s32 @!p0 s3, s7;
	s7 =	simm.s32 @!p0 $0x108  }
0x21: {  	s3 =	sadd.s32 s3, s9;
	s6 =	sadd.s32 @!p0 $0x88, s6;
	s7 =	simm.s32 @p2 $0x1082  }
0x22: {  	[simem:s7], [sflag:s8] =	dma.local @!p0 [hbm:s6], $0xF7A  }
0x23: {  	s9 =	sor.u32 $0xD0000000, s2;
	s6 =	simm.s32 $0x108;
	_ =	swait.ge @!p0 [sflag:s8], $0x0  }
0x24: {  	s3 =	sadd.s32 $0x88, s3;
	s6 =	simm.s32 @!p1 $0x1082;
	[sflag:s4] =	ssyncset.s32 $0xFFFFF086  }
0x25: {  	[simem:s6], [sflag:s4] =	dma.local [hbm:s3], $0xF7A  }
0x26: {  	[smem:$0x3F79] =	sst s1;
	(tag) =	ssettag s2;
	_ =	strace s9  }
0x27: {  	s1 =	sld [smem:$0x3F89]  }
0x28: {  	s2 =	sld [smem:$0x3F8A]  }
0x29: {  	s4 =	sld [smem:$0x3F8C]  }
0x2a: {  	p0 =	seq.s32 s5, $0x0;
	s5 =	sld [smem:$0x3F8D]  }
0x2b: {  	s6 =	sld [smem:$0x3F8E]  }
0x2c: {  	s7 =	sld [smem:$0x3F8F]  }
0x2d: {  	s3 =	simm.s32 $0x108;
	s8 =	sld [smem:$0x3F90]  }
0x2e: {  	s3 =	simm.s32 @!p0 $0x1082;
	s9 =	sld [smem:$0x3F91]  }
0x2f: {  	lr =	sadd.s32 s0, s3;
	s0 =	sld [smem:$0x3F88]  }
0x30: {  	s3 =	sld [smem:$0x3F8B]  }
0x31: {  	[smem:$0x3F94] =	sst s10  }
0x32: {  	s10 =	sld [smem:$0x3F92];
	_ =	sdelay $0x3  }
0x33: {  	p0 =	seq.s32 s10, $0x1;
	s10 =	sld [smem:$0x3F94];
	_ =	sdelay $0x3  }
0x34: {  	[smem:$0x3F94] =	sst s10  }
0x35: {  	s10 =	sld [smem:$0x3F93];
	_ =	sdelay $0x3  }
0x36: {  	p1 =	seq.s32 s10, $0x1;
	s10 =	sld [smem:$0x3F94];
	_ =	sdelay $0x3  }
0x37: {  	[smem:$0x3F94] =	sst s10  }
0x38: {  	s10 =	sld [smem:$0x3F95]  }
0x39: {  	_ = 	snop;
	(pc) =	sbr.ind lr, $3  }
0x3a: {  	_ = 	snop  }
0x3b: {  	_ = 	snop  }
0x3c: {  	p2 =	seq.s32 s10, $0x1;
	s10 =	sld [smem:$0x3F94]  }
0x3d: {  	_ =	shalt  }
0x3e: {  	_ =	shalt  }
0x3f: {  	_ =	shalt  }
0x40: {  	_ =	shalt  }
0x41: {  	_ =	shalt  }
0x42: {  	_ =	shalt  }
0x43: {  	_ =	shalt  }
0x44: {  	_ =	shalt  }
0x45: {  	_ =	shalt  }
0x46: {  	_ =	shalt  }
0x47: {  	_ =	shalt  }
0x48: {  	_ =	shalt  }
0x49: {  	_ =	shalt  }
0x4a: {  	_ =	shalt  }
0x4b: {  	_ =	shalt  }
0x4c: {  	_ =	shalt  }
0x4d: {  	_ =	shalt  }
0x4e: {  	_ =	shalt  }
0x4f: {  	_ =	shalt  }
0x50: {  	_ =	shalt  }
0x51: {  	_ =	shalt  }
0x52: {  	_ =	shalt  }
0x53: {  	_ =	shalt  }
0x54: {  	_ =	shalt  }
0x55: {  	_ =	shalt  }
0x56: {  	_ =	shalt  }
0x57: {  	_ =	shalt  }
0x58: {  	_ =	shalt  }
0x59: {  	_ =	shalt  }
0x5a: {  	_ =	shalt  }
0x5b: {  	_ =	shalt  }
0x5c: {  	_ =	shalt  }
0x5d: {  	_ =	shalt  }
0x5e: {  	_ =	shalt  }
0x5f: {  	_ =	shalt  }
0x60: {  	_ =	shalt  }
0x61: {  	_ =	shalt  }
0x62: {  	_ =	shalt  }
0x63: {  	_ =	shalt  }
0x64: {  	_ =	shalt  }
0x65: {  	_ =	shalt  }
0x66: {  	_ =	shalt  }
0x67: {  	_ =	shalt  }
0x68: {  	_ =	shalt  }
0x69: {  	_ =	shalt  }
0x6a: {  	_ =	shalt  }
0x6b: {  	_ =	shalt  }
0x6c: {  	_ =	shalt  }
0x6d: {  	_ =	shalt  }
0x6e: {  	_ =	shalt  }
0x6f: {  	_ =	shalt  }
0x70: {  	_ =	shalt  }
0x71: {  	_ =	shalt  }
0x72: {  	_ =	shalt  }
0x73: {  	_ =	shalt  }
0x74: {  	_ =	shalt  }
0x75: {  	_ =	shalt  }
0x76: {  	_ =	shalt  }
0x77: {  	_ =	shalt  }
0x78: {  	_ =	shalt  }
0x79: {  	_ =	shalt  }
0x7a: {  	_ =	shalt  }
0x7b: {  	_ =	shalt  }
0x7c: {  	_ =	shalt  }
0x7d: {  	_ =	shalt  }
0x7e: {  	_ =	shalt  }
0x7f: {  	_ =	shalt  }
0x80: {  	_ =	shalt  }
0x81: {  	_ =	shalt  }
0x82: {  	_ =	shalt  }
0x83: {  	_ =	shalt  }
0x84: {  	_ =	shalt  }
0x85: {  	_ =	shalt  }
0x86: {  	_ =	shalt  }
0x87: {  	_ =	shalt  }
.Lfunc_end0:
.L_simem_size_0:
called_computation_lowered:
.L_overlay_start_0:
0x88: {  	s2 =	sld [smem:$0x3FD9]  }
0x89: {  	s3 =	sld [smem:$0x3FFE];
	_ =	sdelay $0x1  }
0x8a: {  	s1 =	srdreg.scid  }
0x8b: {  	s0 =	sand.u32 $0x1, s1  }
0x8c: {  	s15 =	sshll.u32 s0, $0xA;
	s2 =	sadd.s32 s3, s2  }
0x8d: {  	s2 =	sadd.s32 s2, s15  }
0x8e: {  	[smem:$0x3FA0] =	sst s2  }
0x8f: {  	_ = 	snop  }
0x90: {  	s2 =	sld [smem:$0x3FD0];
	_ =	sdelay $0x2  }
0x91: {  	s16 =	simm.s32 $0xC;
	s4 =	simm.s32 $0x10  }
0x92: {  	[smem:s4], [sflag:s16] =	dma.local [hbm:s2], $0x1  }
0x93: {  	_ =	swait.eq [sflag:s16], $0x1  }
0x94: {  	[sflag:s16] =	ssyncset.done $0x0  }
0x95: {  	[sflag:s16] =	ssyncadd.s32 $0xFFFFFFFF  }
0x96: {  	s17 =	sld [smem:$0x10];
	(tm) =	ssettm $0x1  }
0x97: {  	s18 =	sld [smem:$0x3FFB];
	_ =	sdelay $0x3  }
0x98: {  	_ =	strace s18  }
0x99: {  	s2 =	sld [smem:$0x3FFC];
	_ =	sdelay $0x3  }
0x9a: {  	_ =	strace s2  }
0x9b: {  	s2 =	sld [smem:$0x3FFD];
	_ =	sdelay $0x3  }
0x9c: {  	_ =	strace s2  }
0x9d: {  	_ =	strace $0x8FFFFFFF  }
0x9e: {  	s19 =	sld [smem:$0x3FDB];
	_ =	sdelay $0x1  }
0x9f: {  	s20 =	simm.s32 $_scs_section_size  }
0xa0: {  	s5 =	simm.s32 $_size__tile_overlayer_lowered;
	s6 =	simm.s32 $_tile_overlayer_lowered  }
0xa1: {  	s7 =	simm.s32 $0x1BFF;
	s21 =	sshll.u32 s6, $0x1;
	s4 =	sadd.s32 s20, s19  }
0xa2: {  	s22 =	simm.s32 $0x0;
	s5 =	sshll.u32 s5, $0x1;
	s6 =	sadd.s32 s21, s4  }
0xa3: {  	[timem:s22], [sflag:s7] =	dma.local [hbm:s6], s5  }
0xa4: {  	_ =	swait.ge [sflag:s7], s5  }
0xa5: {  	s5 =	ssub.s32 $0x0, s5;
	[sflag:s7] =	ssyncset.done $0x0  }
0xa6: {  	[sflag:s7] =	ssyncadd.s32 s5;
	_ =	sdelay $0x1  }
0xa7: {  	s23 =	simm.s32 $0x1B8B  }
0xa8: {  	_ =	swait.ge [sflag:s23], $0x1  }
0xa9: {  	[sflag:s23] =	ssyncset.done $0x0  }
0xaa: {  	[sflag:s23] =	ssyncadd.s32 $0xFFFFFFFF  }
0xab: {  	s5 =	sld [smem:$0x0]  }
0xac: {  	s6 =	sand.u32 $0xFFFFFFFE, s1  }
0xad: {  	p0 =	sne.s32 s1, s6  }
0xae: {  	s6 =	sshll.u32 @p0 s6, $0xE  }
0xaf: {  	s6 =	sadd.s32 @p0 $0x11B8D, s6;
	s7 =	sshll.u32 @p0 s5, $0x11  }
0xb0: {  	s6 =	sor.u32 @p0 s7, s6  }
0xb1: {  	[sflag:s6] =	ssyncadd.remote.s32 @p0 $0x1;
	_ =	sdelay $0x1  }
0xb2: {  	s6 =	simm.s32 @p0 $0x1B8D  }
0xb3: {  	_ =	swait.eq @p0 [sflag:s6], $0x1  }
0xb4: {  	[sflag:s6] =	ssyncadd.s32 @p0 $0xFFFFFFFF  }
0xb5: {  	s7 =	sshll.u32 @!p0 s1, $0xE  }
0xb6: {  	s7 =	sor.u32 @!p0 $0x4000, s7;
	s6 =	simm.s32 @!p0 $0x1B8D  }
0xb7: {  	s5 =	sshll.u32 @!p0 s5, $0x11;
	s7 =	sadd.s32 @!p0 $0x11B8D, s7;
	_ =	swait.eq @!p0 [sflag:s6], $0x1  }
0xb8: {  	s5 =	sor.u32 @!p0 s5, s7;
	[sflag:s6] =	ssyncadd.s32 @!p0 $0xFFFFFFFF  }
0xb9: {  	s25 =	simm.s32 $0x1B8E;
	s24 =	sld [smem:$0x3FFE];
	[sflag:s5] =	ssyncadd.remote.s32 @!p0 $0x1  }
0xba: {  	s26 =	simm.s32 $execute0_lowered;
	[smem:$0x3FD2] =	sst s25  }
0xbb: {  	s6 =	sshll.u32 s26, $0x1;
	_ =	strace $0x8000004C;
	[dreg:$0x1] =	wrdreg $0xFFFFFFFF  }
0xbc: {  	s28 =	simm.s32 $_size_execute0_lowered;
	s4 =	sadd.s32 s4, s6;
	[dreg:$0x0] =	wrdreg $0x0  }
0xbd: {  	s6 =	sshll.u32 s28, $0x1;
	[dreg:$0x2] =	wrdreg s4  }
0xbe: {  	[dreg:$0x3] =	wrdreg s6  }
0xbf: {  	[dreg:$0x4] =	wrdreg $0xC0  }
0xc0: {  	_ =	task [dreg:s22], $0x5FFFF  }
0xc1: {  	[dreg:$0x1] =	wrdreg $0xFFFFFFFF  }
0xc2: {  	[dreg:$0x0] =	wrdreg $0x60  }
0xc3: {  	[dreg:$0x2] =	wrdreg s24  }
0xc4: {  	[dreg:$0x3] =	wrdreg s17  }
0xc5: {  	[dreg:$0x4] =	wrdreg $0x9  }
0xc6: {  	_ =	task.clear_ibuf [dreg:s22], $0x5FFFF;
	_ =	strace $0x9000004C  }
0xc7: {  	s29 =	simm.s32 $0x9;
	_ =	strace $0x8000004E  }
0xc8: {  	_ =	swait.ge [sflag:s29], $0x1  }
0xc9: {  	[sflag:s29] =	ssyncadd.s32 $0xFFFFFFFF  }
0xca: {  	_ =	strace $0x9000004E  }
0xcb: {  	_ =	sfence  }
0xcc: {  	s30 =	sld [smem:$0x0];
	_ =	sdelay $0x2  }
0xcd: {  	s31 =	sshll.u32 s1, $0xD;
	s1 =	sshrl.u32 s1, $0x2  }
0xce: {  	s4 =	sand.u32 $0x4000, s31;
	s1 =	sadd.s32 s1, s30  }
0xcf: {  	s0 =	sor.u32 s4, s0;
	s1 =	sshll.u32 s1, $0x11  }
0xd0: {  	s0 =	sor.u32 s1, s0  }
0xd1: {  	s0 =	sadd.s32 $0x8F2B, s0  }
0xd2: {  	[sflag:s0] =	ssyncadd.remote.s32 $0x1  }
0xd3: {  	_ =	sfence.sel $0xFFFF  }
0xd4: {  	[dreg:$0x0] =	wrdreg $0xFFFFFFFF;
	(pc) =	sbr.abs _section_cstart, $3  }
0xd5: {  	[dreg:$0x1] =	wrdreg $0xFFFFFFFF  }
0xd6: {  	_ =	task.clear_ibuf [dreg:s22], $0x2FFFF;
	_ =	strace $0x9FFFFFFF  }
0xd7: {  	(tm) =	ssettm $0x7FFFFFFF  }
tec
execute0_lowered:
.L_overlay_start_1:
0x0: {  	(tag) =	ssettag $0x1  }
0x1: {  	s0 =	srdreg.scid  }
0x2: {  	s1 =	sshll.u32 s0, $0x4  }
0x3: {  	s0 =	stileid.u32;
	s1 =	sand.u32 $0x10, s1  }
0x4: {  	s2 =	sor.u32 s0, s1  }
0x5: {  	s3 =	smin.u32 s2, $0x10  }
0x6: {  	s1 =	sshrl.u32 s1, $0x4;
	s2 =	sadd.s32 s2, s3  }
0x7: {  	s1 =	ssub.s32 s2, s1  }
0x8: {  	s1 =	smul.u32 $0x158, s1;
	_ =	sdelay $0x1  }
0x9: {  	s2 =	smul.u32 $0x158, s2;
	s1 =	sadd.s32 $0x2B0, s1  }
0xa: {  	s3 =	smin.u32 s1, $0x4080  }
0xb: {  	s7 =	ssub.s32 s3, s2  }
0xc: {  	p0 =	sgt.s32 s7, $0x0  }
0xd: {  	s7 =	simm.s32 @!p0 $0x0  }
0xe: {  	s9 =	rddreg [dreg:$0x0];
	s31 =	smul.u32 $0xBE83, s7  }
0xf: {  	s4 =	rddreg [dreg:$0x1];
	s6 =	simm.s32 $0x1  }
0x10: {  	s11 =	simm.s32 $0x3;
	s13 =	simm.s32 $0x0;
	s8 =	sshrl.u32 s31, $0x18  }
0x11: {  	s12 =	simm.s32 $0x0;
	s5 =	sadd.s32 $0x7400, s9;
	s10 =	smul.u32 $0x158, s8  }
.Ltmp0:
0x12: {  	s9 =	sadd.s32 $0x4F800, s9;
	s1 =	rddreg [dreg:$0x2];
	(pc) =	sbr.rel .LBB2_1-.Ltmp0, $4  }
0x13: {  	_ =	strace $0x8000004D;
	p0 =	sne.s32 s7, s10;
	s10 =	simm.s32 $0x1  }
0x14: {  	[sflag:s6] =	ssyncpa.u1 $0x0;
	s7 =	simm.s32 $0x2;
	s10 =	simm.s32 @!p0 $0x0  }
0x15: {  	[sflag:s7] =	ssyncpa.u1 $0x0;
	p0 =	por $0x0, $0x0;
	s8 =	sadd.s32 s8, s10  }
0x16: {  	vm0 =	vmmov $0xff;
	vm1 =	vcmask $0x3F20;
	[sflag:s11] =	ssyncpa.u1 $0x0;
	s11 =	smov.u32 s2;
	s10 =	sadd.s32 $0x1, s8  }
.LBB2_6:
0x17: {  	[hbm:s17] =	stream.linear.scatter [tilespmem:s14], [sflag:$0x3], $0x400, $0x38;
	[tilespmem:$0x15AB0] =	vst v63  }
.LBB2_7:
0x18: {  	s13 =	sadd.s32 $0x158, s11  }
0x19: {  	s15 =	smov.u32 s2;
	p2 =	slt.s32 s13, s3  }
0x1a: {  	s15 =	smov.u32 @p2 s13;
	p2 =	sne.s32 s12, s10  }
.Ltmp1:
0x1b: {  	p1 =	slt.u32 s12, $0x2;
	(pc) =	sbr.rel @!p2 .LBB2_8-.Ltmp1, $4  }
0x1c: {  	s14 =	simm.s32 @!p1 $0x3  }
0x1d: {  	s16 =	sadd.s32 $0x1, s12;
	_ =	swait.ge @!p1 [sflag:s14], $0xAC00  }
0x1e: {  	p0 =	por !p0, !p0;
	s13 =	smov.u32 s11;
	[sflag:s14] =	ssyncset.done @!p1 $0x0  }
0x1f: {  	s12 =	smov.u32 s16;
	s11 =	smov.u32 s15;
	[sflag:s14] =	ssyncadd.s32 @!p1 $0xFFFF5400  }
.LBB2_1:
0x20: {  	p1 =	sge.u32 s12, s8  }
0x21: {  	s14 =	sxor.u32 @!p1 $0xFFFFFFFF, s12  }
0x22: {  	s14 =	sand.u32 @!p1 $0x1, s14  }
0x23: {  	s14 =	smul.u32 @!p1 $0x560, s14  }
0x24: {  	s31 =	sadd.s32 $0xFFFFFFFF, s12;
	s15 =	sshrl.u32 @!p1 s11, $0x3  }
0x25: {  	s16 =	sand.u32 @!p1 $0x7, s11;
	s15 =	sadd.s32 @!p1 s4, s15;
	s14 =	sshrl.u32 @!p1 s14, $0x2  }
0x26: {  	[tilespmem:s14], [sflag:$0x2] =	stream.linear.gather @!p1 [hbm4b:s15+s16], $0x158, $0x38;
	[tilespmem:$0x15AB0] =	vst v63  }
0x27: {  	p1 =	sge.u32 s31, s8  }
.Ltmp2:
0x28: {  	_ = 	snop;
	(pc) =	sbr.rel @p1 .LBB2_7-.Ltmp2, $1  }
0x29: {  	_ =	sdelay $0x3  }
0x2a: {  	s14 =	simm.s32 $0x1  }
0x2b: {  	s14 =	simm.s32 @!p0 $0x0  }
0x2c: {  	s15 =	smul.u32 $0x560, s14  }
0x2d: {  	_ =	swait.ge [sflag:s7], $0x158  }
0x2e: {  	[sflag:s7] =	ssyncset.done $0x0;
	s16 =	sshrl.u32 s15, $0x2  }
0x2f: {  	[sflag:s7] =	ssyncadd.s32 $0xFFFFFEA8;
	s15 =	sadd.s32 $0x0, s16  }
0x30: {  	v0 =	vld.msk [tilespmem:s15+$0x0 ss:$0x1], $0xffff;
	_ =	sdelay $0x4  }
0x31: {  	vm2 =	vgt.s32 v0, $0x0  }
0x32: {  	v0 =	vnsel vm2, $0x0, v0  }
0x33: {  	v0 =	vmin.u32 v0, $0x4056  }
0x34: {  	v0 =	vshll.u32 v0, $0x4  }
0x35: {  	s14 =	smul.u32 $0x2B000, s14  }
0x36: {  	s31 =	sand.u32 $0x1, s12  }
0x37: {  	s17 =	smul.u32 $0x560, s31;
	s14 =	sshrl.u32 s14, $0x2  }
0x38: {  	s19 =	smul.u32 $0x2B000, s31;
	s14 =	sor.u32 $0x2B0, s14  }
0x39: {  	[tilespmem:s14], [sflag:$0x1] =	stream.indirect_vreg.gather [hbm:s5], $0x80, v0, vm0, $0x38;
	[tilespmem:$0x15AB0] =	vst v63  }
0x3a: {  	s18 =	sshrl.u32 s17, $0x2;
	s20 =	sadd.s32 $0x10, s16;
	s15 =	sadd.s32 $0x400, s14  }
0x3b: {  	[tilespmem:s15], [sflag:$0x1] =	stream.indirect_vreg.gather [hbm:s5], $0x80, v0, vm1, $0x38;
	[tilespmem:$0x15AB0] =	vst v63  }
0x3c: {  	s17 =	sshrl.u32 s19, $0x2;
	s19 =	smov.u32 s14;
	v0 =	vld.msk [tilespmem:s20+$0x0 ss:$0x1], $0xffff;
	s20 =	simm.s32 $0x80  }
.LBB2_3:
0x3d: {  	p1 =	sne.s32 s20, $0x500;
	_ =	sdelay $0x4  }
0x3e: {  	vm2 =	vgt.s32 v0, $0x0  }
0x3f: {  	v0 =	vnsel vm2, $0x0, v0  }
0x40: {  	v0 =	vmin.u32 v0, $0x4056  }
0x41: {  	v0 =	vshll.u32 v0, $0x4;
	_ =	sdelay $0x3  }
.Ltmp3:
0x42: {  	s21 =	sshra.s32 s20, $0x2;
	s19 =	sadd.s32 $0x800, s19;
	(pc) =	sbr.rel @p1 .LBB2_3-.Ltmp3, $4  }
0x43: {  	[tilespmem:s19], [sflag:$0x1] =	stream.indirect_vreg.gather [hbm:s5], $0x80, v0, vm0, $0x38;
	[tilespmem:$0x15AB0] =	vst v63  }
0x44: {  	s21 =	sadd.s32 s21, s16;
	s22 =	sadd.s32 $0x400, s19  }
0x45: {  	[tilespmem:s22], [sflag:$0x1] =	stream.indirect_vreg.gather [hbm:s5], $0x80, v0, vm1, $0x38;
	[tilespmem:$0x15AB0] =	vst v63  }
0x46: {  	s20 =	sadd.s32 $0x40, s20;
	v0 =	vld.msk [tilespmem:s21+$0x0 ss:$0x1], $0xffff  }
0x47: {  	_ =	sdelay $0x3  }
0x48: {  	vm2 =	vgt.s32 v0, $0x0  }
0x49: {  	v0 =	vnsel vm2, $0x0, v0  }
0x4a: {  	v0 =	vmin.u32 v0, $0x4056  }
0x4b: {  	v0 =	vshll.u32 v0, $0x4;
	_ =	sdelay $0x3  }
0x4c: {  	s16 =	sadd.s32 $0x800, s19  }
0x4d: {  	[tilespmem:s16], [sflag:$0x1] =	stream.indirect_vreg.gather [hbm:s5], $0x80, v0, vm0, $0x38;
	[tilespmem:$0x15AB0] =	vst v63  }
0x4e: {  	s16 =	sadd.s32 $0x400, s16  }
0x4f: {  	[tilespmem:s16], [sflag:$0x1] =	stream.indirect_vreg.gather [hbm:s5], $0x80, v0, vm1, $0x38;
	[tilespmem:$0x15AB0] =	vst v63  }
0x50: {  	v0 =	vld.msk [tilespmem:s18+$0x150 ss:$0x1], $0xff;
	_ =	sdelay $0x4  }
0x51: {  	vm2 =	vgt.s32 v0, $0x0  }
0x52: {  	v0 =	vnsel vm2, $0x0, v0  }
0x53: {  	v0 =	vmin.u32 v0, $0x4056  }
0x54: {  	v0 =	vshll.u32 v0, $0x4;
	_ =	sdelay $0x3  }
0x55: {  	s31 =	sadd.s32 $0xAAB0, s17  }
0x56: {  	[tilespmem:s31], [sflag:$0x1] =	stream.indirect_vreg.gather [hbm:s5], $0x80, v0, vm0, $0x38;
	[tilespmem:$0x15AB0] =	vst v63  }
0x57: {  	s13 =	sshll.u32 s13, $0x4;
	_ =	swait.ge [sflag:s6], $0xAC00  }
0x58: {  	s13 =	sadd.s32 s13, s9;
	[sflag:s6] =	ssyncset.done $0x0  }
0x59: {  	s17 =	sadd.s32 $0x0, s13;
	s16 =	simm.s32 $0x80;
	[sflag:s6] =	ssyncadd.s32 $0xFFFF5400  }
.LBB2_5:
0x5a: {  	[hbm:s17] =	stream.linear.scatter [tilespmem:s14], [sflag:$0x3], $0x400, $0x38;
	[tilespmem:$0x15AB0] =	vst v63  }
0x5b: {  	s17 =	smov.u32 s16;
	s14 =	smov.u32 s15;
	p1 =	sne.s32 s16, $0x1500  }
.Ltmp4:
0x5c: {  	s16 =	sadd.s32 $0x80, s16;
	(pc) =	sbr.rel @p1 .LBB2_5-.Ltmp4, $2  }
0x5d: {  	_ =	sdelay $0x2  }
0x5e: {  	s15 =	sadd.s32 $0x400, s15;
	s17 =	sadd.s32 s17, s13  }
.Ltmp5:
0x5f: {  	_ = 	snop;
	(pc) =	sbr.rel .LBB2_6-.Ltmp5, $1  }
0x60: {  	_ =	sdelay $0x3  }
.LBB2_8:
0x61: {  	_ =	sfence.sel $0x180000  }
0x62: {  	s2 =	simm.s32 $0x2;
	[bflag:$0x0] =	sbarrier.arrive $0xFFFF  }
0x63: {  	s30 =	simm.s32 $0x3;
	[sflag:s2] =	ssyncpa.u1 $0x1  }
0x64: {  	s31 =	simm.s32 $0x1;
	[sflag:s30] =	ssyncpa.u1 $0x1  }
0x65: {  	[sflag:s31] =	ssyncpa.u1 $0x1  }
0x66: {  	p0 =	sne.s32 s0, $0x0;
	_ =	strace $0x9000004D  }
0x67: {  	s0 =	sadd.s32 @!p0 $0x100000, s1;
	[bflag:$0x2] =	sbarrier.arrive $0xFFFF  }
0x68: {  	[sflag:s0] =	ssyncadd.tile.s32 @!p0 $0x1;
	_ =	shalt  }
.Lfunc_end2:
_tile_overlayer_lowered:
.L_overlay_start_2:
0x69: {  	(tag) =	ssettag $0x2  }
0x6a: {  	s0 =	rddreg [dreg:$0x0];
	s2 =	stileid.u32  }
0x6b: {  	s1 =	rddreg [dreg:$0x1];
	p0 =	sne.s32 s2, $0x0  }
0x6c: {  	s3 =	rddreg [dreg:$0x2];
	[bflag:$0x3] =	sbarrier.arrive $0xFFFF;
	s2 =	simm.s32 @!p0 $0x1C01  }
0x6d: {  	[timem:s3], [sflag:s2] =	dma.local @!p0 [hbm:s0], s1  }
0x6e: {  	s0 =	simm.s32 @!p0 $0x1  }
0x6f: {  	_ =	swait.ge @!p0 [sflag:s0], s1  }
0x70: {  	s1 =	ssub.s32 @!p0 $0x0, s1;
	[sflag:s0] =	ssyncset.done @!p0 $0x0  }
0x71: {  	[sflag:s0] =	ssyncadd.s32 @!p0 s1  }
0x72: {  	[bflag:$0x3] =	sbarrier.arrive $0xFFFF  }
0x73: {  	_ =	shalt  }

</sc_bundles>
